<compile_context>
chip_gen: v7x
topology: tpu7x:2x2x1
jax: 0.10.2.dev20260603
libtpu: 0.0.44.dev20260713+nightly
codegen_flags: <defaults>
</compile_context>

<pallas_src>
import functools

import jax
import jax.numpy as jnp
from jax import lax
from jax.experimental import pallas as pl
from jax.experimental.pallas import tpu as pltpu
from jax.experimental.pallas import tpu_sc as plsc

_N_E = 8192
_E_DIM = 256
_N_TOK = 8192
_BETA = 0.25

_TM = 512
_NT = _N_TOK // _TM
_PHASES = ((0, 4096), (4096, 8192))
_TILE = 1024


def _phase_tiles(a, b):
    tiles = []
    s = a
    while s < b:
        tiles.append((s, min(_TILE, b - s)))
        s += min(_TILE, b - s)
    return tiles


def _dist_argmin_body(z_ref, w_ref, zn_ref, wn_ref, idx_ref):
    z = z_ref[...]
    zn = zn_ref[...]
    state = None
    bidx = None
    for (a, b) in _PHASES:
        pmin = None
        parg = None
        for (s, L) in _phase_tiles(a, b):
            wt = w_ref[pl.ds(s, L), :]
            m = lax.dot_general(z, wt, (((1,), (1,)), ((), ())),
                                preferred_element_type=jnp.float32)
            d = (zn + wn_ref[:, pl.ds(s, L)]) - m
            tmin = jnp.min(d, axis=1, keepdims=True)
            col = (lax.broadcasted_iota(jnp.int32, (_TM, L), 1)
                   .astype(jnp.float32) + jnp.float32(s))
            targ = jnp.min(jnp.where(d == tmin, col, jnp.float32(jnp.inf)),
                           axis=1, keepdims=True)
            if pmin is None:
                pmin, parg = tmin, targ
            else:
                upd = tmin < pmin
                parg = jnp.where(upd, targ, parg)
                pmin = jnp.where(upd, tmin, pmin)
        if state is None:
            state = pmin.astype(jnp.bfloat16).astype(jnp.float32)
            bidx = parg
        else:
            take = pmin < state
            bidx = jnp.where(take, parg, bidx)
            state = jnp.where(
                take, pmin.astype(jnp.bfloat16).astype(jnp.float32), state)
    idx_ref[...] = bidx.astype(jnp.int32)


def _dist_argmin(z_flat, W, zn, wn_row):
    return pl.pallas_call(
        _dist_argmin_body,
        grid=(_NT,),
        in_specs=[
            pl.BlockSpec((_TM, _E_DIM), lambda i: (i, 0)),
            pl.BlockSpec((_N_E, _E_DIM), lambda i: (0, 0)),
            pl.BlockSpec((_TM, 1), lambda i: (i, 0)),
            pl.BlockSpec((1, _N_E), lambda i: (0, 0)),
        ],
        out_specs=pl.BlockSpec((_TM, 1), lambda i: (i, 0)),
        out_shape=jax.ShapeDtypeStruct((_N_TOK, 1), jnp.int32),
    )(z_flat, W, zn, wn_row)


_NC, _NS = 2, 16
_NW = _NC * _NS
_B_PER_W = _N_TOK // _NW
_CHUNK = 128
_N_CHUNK = _B_PER_W // _CHUNK


def _gather_hist_body(w_hbm, idx_hbm, zq_hbm, hist_hbm, idx_v, rows_v, hist_v, sem):
    wid = lax.axis_index("s") * _NC + lax.axis_index("c")
    base = wid * _B_PER_W
    pltpu.sync_copy(idx_hbm.at[wid], idx_v)
    for c in range(_N_CHUNK):
        pltpu.async_copy(w_hbm.at[idx_v.at[c]],
                         rows_v.at[pl.ds(c * _CHUNK, _CHUNK)], sem).wait()
    pltpu.sync_copy(rows_v, zq_hbm.at[pl.ds(base, _B_PER_W)])

    def _zero(i, carry):
        hist_v[pl.ds(i * 16, 16)] = jnp.zeros((16,), jnp.int32)
        return carry

    lax.fori_loop(0, _N_E // 16, _zero, 0)
    ones = jnp.full((16,), 1, jnp.int32)
    for g in range(_B_PER_W // 16):
        c, o = divmod(g, _CHUNK // 16)
        iv = idx_v[c, pl.ds(o * 16, 16)]
        plsc.addupdate_scatter(hist_v, [iv], ones)
    pltpu.sync_copy(hist_v, hist_hbm.at[wid])


def _gather_hist(W, idx3):
    mesh = plsc.VectorSubcoreMesh(core_axis_name="c", subcore_axis_name="s")
    f = pl.kernel(
        _gather_hist_body,
        out_type=[
            jax.ShapeDtypeStruct((_N_TOK, _E_DIM), jnp.float32),
            jax.ShapeDtypeStruct((_NW, _N_E), jnp.int32),
        ],
        mesh=mesh,
        compiler_params=pltpu.CompilerParams(needs_layout_passes=False),
        scratch_types=[
            pltpu.VMEM((_N_CHUNK, _CHUNK), jnp.int32),
            pltpu.VMEM((_B_PER_W, _E_DIM), jnp.float32),
            pltpu.VMEM((_N_E,), jnp.int32),
            pltpu.SemaphoreType.DMA,
        ],
    )
    return f(W, idx3)


_FB = 1024
_NFB = _N_TOK // _FB


def _final_body(zp_ref, zq_ref, hist_ref, out_ref, loss_ref, perp_ref, acc):
    b = pl.program_id(0)
    zp = zp_ref[...]
    diff = zq_ref[...] - zp
    out_ref[...] = zp + diff
    part = jnp.sum(diff * diff)

    @pl.when(b == 0)
    def _():
        acc[0] = part

    @pl.when(b > 0)
    def _():
        acc[0] = acc[0] + part

    @pl.when(b == _NFB - 1)
    def _():
        n = jnp.float32(_N_TOK * _E_DIM)
        loss_ref[0, 0] = (1.0 + _BETA) * (acc[0] / n)
        counts = jnp.sum(hist_ref[...].astype(jnp.float32), axis=0, keepdims=True)
        e_mean = counts / jnp.float32(_N_TOK)
        ent = jnp.sum(e_mean * jnp.log(e_mean + 1e-10))
        perp_ref[0, 0] = jnp.exp(-ent)


def _finalize(z_flat, zq, hist):
    return pl.pallas_call(
        _final_body,
        grid=(_NFB,),
        in_specs=[
            pl.BlockSpec((_FB, _E_DIM), lambda b: (b, 0)),
            pl.BlockSpec((_FB, _E_DIM), lambda b: (b, 0)),
            pl.BlockSpec((_NW, _N_E), lambda b: (0, 0)),
        ],
        out_specs=[
            pl.BlockSpec((_FB, _E_DIM), lambda b: (b, 0)),
            pl.BlockSpec(memory_space=pltpu.SMEM),
            pl.BlockSpec(memory_space=pltpu.SMEM),
        ],
        out_shape=[
            jax.ShapeDtypeStruct((_N_TOK, _E_DIM), jnp.float32),
            jax.ShapeDtypeStruct((1, 1), jnp.float32),
            jax.ShapeDtypeStruct((1, 1), jnp.float32),
        ],
        scratch_shapes=[pltpu.SMEM((1,), jnp.float32)],
    )(z_flat, zq, hist)


def kernel(z, W):
    B, C, H, Wd = z.shape
    z_p = jnp.transpose(z, (0, 2, 3, 1))
    z_flat = z_p.reshape(-1, _E_DIM)
    zn = jnp.sum(z_p ** 2, axis=3).reshape(-1, 1)
    wn = jnp.sum(W ** 2, axis=1)
    idx2d = _dist_argmin(z_flat, 2.0 * W, zn, wn.reshape(1, _N_E))
    idx = idx2d.reshape(-1)
    zq, hist = _gather_hist(W, idx.reshape(_NW, _N_CHUNK, _CHUNK))
    out_flat, loss, perp = _finalize(z_flat, zq, hist)
    z_q_out = jnp.transpose(out_flat.reshape(B, H, Wd, C), (0, 3, 1, 2))
    return (loss.reshape(()), z_q_out, perp.reshape(()),
            idx.reshape(B, H, Wd))

# --- scband reference (transcript-rebuilt; emitter-appended) ---
"""Pipeline reference for scband-vector-quantizer-17025250361871 (READ-ONLY COPY).

The authoritative reference and input builder live on the scoring server;
editing this copy changes nothing except your own understanding.
"""

import jax, jax.numpy as jnp
import numpy as np

N_E = 8192
E_DIM = 256
BETA = 0.25

def setup_inputs(seed: int = 0) -> dict:
    key = jax.random.key(seed)
    k1, k2 = jax.random.split(key)
    z = jax.random.normal(k1, (8, 256, 32, 32), dtype=jnp.float32)
    W = jax.random.uniform(k2, (N_E, E_DIM), dtype=jnp.float32, minval=-1.0 / N_E, maxval=1.0 / N_E)
    return {"z": z, "W": W}

def reference(z, W):
    # z: (B, C, H, W) with C == e_dim
    z_p = jnp.transpose(z, (0, 2, 3, 1))
    B, H, Wd, C = z_p.shape
    z_flat = z_p.reshape(-1, E_DIM)
    d = (jnp.sum(z_flat ** 2, axis=1, keepdims=True)
         + jnp.sum(W ** 2, axis=1)
         - 2.0 * jnp.matmul(z_flat, W.T))
    min_encoding_indices = jnp.argmin(d, axis=1)
    N = z_flat.shape[0]
    min_encodings = jnp.zeros((N, N_E), dtype=jnp.float32).at[jnp.arange(N), min_encoding_indices].set(1.0)
    z_q = jnp.matmul(min_encodings, W).reshape(z_p.shape)
    loss = (jnp.mean((jax.lax.stop_gradient(z_q) - z_p) ** 2)
            + BETA * jnp.mean((z_q - jax.lax.stop_gradient(z_p)) ** 2))
    z_q_st = z_p + jax.lax.stop_gradient(z_q - z_p)
    e_mean = jnp.mean(min_encodings, axis=0)
    perplexity = jnp.exp(-jnp.sum(e_mean * jnp.log(e_mean + 1e-10)))
    z_q_out = jnp.transpose(z_q_st, (0, 3, 1, 2))
    encoding_indices = min_encoding_indices.reshape(B, H, Wd)
    return (loss, z_q_out, perplexity, encoding_indices)

if __name__ == "__main__":
    import jax
    _d = setup_inputs()
    print(jax.jit(kernel)(*tuple(_d.values())))

</pallas_src>

<mosaic_0001>
#map = affine_map<(d0, d1) -> (0, 0)>
#map1 = affine_map<(d0, d1) -> (0, 0, 0)>
module attributes {stable_mosaic.version = 14 : i64} {
  func.func @_gather_hist_body(%arg0: i32, %arg1: i32, %arg2: memref<8192x256xf32, #tpu.memory_space<hbm>>, %arg3: memref<32x2x128xi32, #tpu.memory_space<hbm>>, %arg4: memref<8192x256xf32, #tpu.memory_space<hbm>>, %arg5: memref<32x8192xi32, #tpu.memory_space<hbm>>, %arg6: memref<2x128xi32, #tpu.memory_space<vmem>>, %arg7: memref<256x256xf32, #tpu.memory_space<vmem>>, %arg8: memref<8192xi32, #tpu.memory_space<vmem>>, %arg9: memref<!tpu.dma_semaphore, #tpu.memory_space<semaphore_mem>>) attributes {dimension_semantics = [#tpu.dimension_semantics<core_parallel>, #tpu.dimension_semantics<subcore_parallel>], iteration_bounds = array<i64: 2, 16>, scalar_prefetch = 0 : i64, scratch_operands = 4 : i64, tpu.core_type = #tpu.core_type<sc_vector_subcore>, window_params = [{transform_indices = #map}, {transform_indices = #map1}, {transform_indices = #map}, {transform_indices = #map}]} {
    %mul3A = arith.constant 2 : i32
    %mul3A_0 = arith.muli %arg1, %mul3A : i32
    %add3A = arith.addi %mul3A_0, %arg0 : i32
    %mul3A_1 = arith.constant 256 : i32
    %mul3A_2 = arith.muli %add3A, %mul3A_1 : i32
    "tpu.region"() ({
      %run_scoped3A = tpu.sem_alloc : memref<!tpu.dma_semaphore, #tpu.memory_space<semaphore_mem>>
      %dma_start3A_110 = arith.constant 0 : i32
      %dma_start3A_111 = arith.constant 0 : i32
      %dma_start3A_112 = tpu.memref_slice %arg3[%add3A, %dma_start3A_110, %dma_start3A_111] : memref<32x2x128xi32, #tpu.memory_space<hbm>> -> memref<1x2x128xi32, #tpu.memory_space<hbm>>
      %dma_start3A_113 = tpu.memref_squeeze %dma_start3A_112 : memref<1x2x128xi32, #tpu.memory_space<hbm>> -> memref<2x128xi32, #tpu.memory_space<hbm>>
      %dma_start3A_114 = arith.constant 0 : i32
      %dma_start3A_115 = arith.constant 0 : i32
      %dma_start3A_116 = tpu.memref_slice %arg3[%add3A, %dma_start3A_114, %dma_start3A_115] : memref<32x2x128xi32, #tpu.memory_space<hbm>> -> memref<1x2x128xi32, #tpu.memory_space<hbm>>
      %dma_start3A_117 = tpu.memref_squeeze %dma_start3A_116 : memref<1x2x128xi32, #tpu.memory_space<hbm>> -> memref<2x128xi32, #tpu.memory_space<hbm>>
      tpu.enqueue_dma source(%dma_start3A_117 : memref<2x128xi32, #tpu.memory_space<hbm>>) target(%arg6 : memref<2x128xi32, #tpu.memory_space<vmem>>) target_semaphore(%run_scoped3A : memref<!tpu.dma_semaphore, #tpu.memory_space<semaphore_mem>>)
      %dma_wait3A_118 = arith.constant 0 : i32
      %dma_wait3A_119 = arith.constant 0 : i32
      %dma_wait3A_120 = tpu.memref_slice %arg3[%add3A, %dma_wait3A_118, %dma_wait3A_119] : memref<32x2x128xi32, #tpu.memory_space<hbm>> -> memref<1x2x128xi32, #tpu.memory_space<hbm>>
      %dma_wait3A_121 = tpu.memref_squeeze %dma_wait3A_120 : memref<1x2x128xi32, #tpu.memory_space<hbm>> -> memref<2x128xi32, #tpu.memory_space<hbm>>
      %dma_wait3A_122 = arith.constant 0 : i32
      %dma_wait3A_123 = arith.constant 0 : i32
      %dma_wait3A_124 = tpu.memref_slice %arg3[%add3A, %dma_wait3A_122, %dma_wait3A_123] : memref<32x2x128xi32, #tpu.memory_space<hbm>> -> memref<1x2x128xi32, #tpu.memory_space<hbm>>
      %dma_wait3A_125 = tpu.memref_squeeze %dma_wait3A_124 : memref<1x2x128xi32, #tpu.memory_space<hbm>> -> memref<2x128xi32, #tpu.memory_space<hbm>>
      tpu.wait_dma2 semaphore(%run_scoped3A : memref<!tpu.dma_semaphore, #tpu.memory_space<semaphore_mem>>) src(%dma_wait3A_125 : memref<2x128xi32, #tpu.memory_space<hbm>>) dst(%arg6 : memref<2x128xi32, #tpu.memory_space<vmem>>)
      tpu.yield
    }) : () -> ()
    %dma_start3A = arith.constant 0 : i32
    %dma_start3A_3 = arith.constant 0 : i32
    %dma_start3A_4 = arith.constant 0 : i32
    %dma_start3A_5 = tpu.memref_slice %arg7[%dma_start3A_3, %dma_start3A_4] : memref<256x256xf32, #tpu.memory_space<vmem>> -> memref<128x256xf32, #tpu.memory_space<vmem>>
    %dma_start3A_6 = arith.constant 0 : i32
    %dma_start3A_7 = tpu.memref_slice %arg6[%dma_start3A, %dma_start3A_6] : memref<2x128xi32, #tpu.memory_space<vmem>> -> memref<1x128xi32, #tpu.memory_space<vmem>>
    %dma_start3A_8 = tpu.memref_squeeze %dma_start3A_7 : memref<1x128xi32, #tpu.memory_space<vmem>> -> memref<128xi32, #tpu.memory_space<vmem>>
    %dma_start3A_9 = arith.constant 0 : i32
    %dma_start3A_10 = arith.constant 0 : i32
    %dma_start3A_11 = tpu.memref_slice %arg2[%dma_start3A_9, %dma_start3A_10] : memref<8192x256xf32, #tpu.memory_space<hbm>> -> memref<8192x256xf32, #tpu.memory_space<hbm>>
    tpu.enqueue_indirect_dma source(%dma_start3A_11 : memref<8192x256xf32, #tpu.memory_space<hbm>>) target(%dma_start3A_5 : memref<128x256xf32, #tpu.memory_space<vmem>>) offsets(%dma_start3A_8 : memref<128xi32, #tpu.memory_space<vmem>>) semaphore(%arg9 : memref<!tpu.dma_semaphore, #tpu.memory_space<semaphore_mem>>)
    %dma_wait3A = arith.constant 0 : i32
    %dma_wait3A_12 = arith.constant 0 : i32
    %dma_wait3A_13 = arith.constant 0 : i32
    %dma_wait3A_14 = tpu.memref_slice %arg7[%dma_wait3A_12, %dma_wait3A_13] : memref<256x256xf32, #tpu.memory_space<vmem>> -> memref<128x256xf32, #tpu.memory_space<vmem>>
    %dma_wait3A_15 = arith.constant 0 : i32
    %dma_wait3A_16 = tpu.memref_slice %arg6[%dma_wait3A, %dma_wait3A_15] : memref<2x128xi32, #tpu.memory_space<vmem>> -> memref<1x128xi32, #tpu.memory_space<vmem>>
    %dma_wait3A_17 = tpu.memref_squeeze %dma_wait3A_16 : memref<1x128xi32, #tpu.memory_space<vmem>> -> memref<128xi32, #tpu.memory_space<vmem>>
    %dma_wait3A_18 = arith.constant 0 : i32
    %dma_wait3A_19 = arith.constant 0 : i32
    %dma_wait3A_20 = tpu.memref_slice %arg2[%dma_wait3A_18, %dma_wait3A_19] : memref<8192x256xf32, #tpu.memory_space<hbm>> -> memref<8192x256xf32, #tpu.memory_space<hbm>>
    tpu.wait_indirect_dma semaphore(%arg9 : memref<!tpu.dma_semaphore, #tpu.memory_space<semaphore_mem>>) src(%dma_wait3A_20 : memref<8192x256xf32, #tpu.memory_space<hbm>>) dst(%dma_wait3A_14 : memref<128x256xf32, #tpu.memory_space<vmem>>)
    %dma_start3A_21 = arith.constant 1 : i32
    %dma_start3A_22 = arith.constant 128 : i32
    %dma_start3A_23 = arith.constant 0 : i32
    %dma_start3A_24 = tpu.memref_slice %arg7[%dma_start3A_22, %dma_start3A_23] : memref<256x256xf32, #tpu.memory_space<vmem>> -> memref<128x256xf32, #tpu.memory_space<vmem>>
    %dma_start3A_25 = arith.constant 0 : i32
    %dma_start3A_26 = tpu.memref_slice %arg6[%dma_start3A_21, %dma_start3A_25] : memref<2x128xi32, #tpu.memory_space<vmem>> -> memref<1x128xi32, #tpu.memory_space<vmem>>
    %dma_start3A_27 = tpu.memref_squeeze %dma_start3A_26 : memref<1x128xi32, #tpu.memory_space<vmem>> -> memref<128xi32, #tpu.memory_space<vmem>>
    %dma_start3A_28 = arith.constant 0 : i32
    %dma_start3A_29 = arith.constant 0 : i32
    %dma_start3A_30 = tpu.memref_slice %arg2[%dma_start3A_28, %dma_start3A_29] : memref<8192x256xf32, #tpu.memory_space<hbm>> -> memref<8192x256xf32, #tpu.memory_space<hbm>>
    tpu.enqueue_indirect_dma source(%dma_start3A_30 : memref<8192x256xf32, #tpu.memory_space<hbm>>) target(%dma_start3A_24 : memref<128x256xf32, #tpu.memory_space<vmem>>) offsets(%dma_start3A_27 : memref<128xi32, #tpu.memory_space<vmem>>) semaphore(%arg9 : memref<!tpu.dma_semaphore, #tpu.memory_space<semaphore_mem>>)
    %dma_wait3A_31 = arith.constant 1 : i32
    %dma_wait3A_32 = arith.constant 128 : i32
    %dma_wait3A_33 = arith.constant 0 : i32
    %dma_wait3A_34 = tpu.memref_slice %arg7[%dma_wait3A_32, %dma_wait3A_33] : memref<256x256xf32, #tpu.memory_space<vmem>> -> memref<128x256xf32, #tpu.memory_space<vmem>>
    %dma_wait3A_35 = arith.constant 0 : i32
    %dma_wait3A_36 = tpu.memref_slice %arg6[%dma_wait3A_31, %dma_wait3A_35] : memref<2x128xi32, #tpu.memory_space<vmem>> -> memref<1x128xi32, #tpu.memory_space<vmem>>
    %dma_wait3A_37 = tpu.memref_squeeze %dma_wait3A_36 : memref<1x128xi32, #tpu.memory_space<vmem>> -> memref<128xi32, #tpu.memory_space<vmem>>
    %dma_wait3A_38 = arith.constant 0 : i32
    %dma_wait3A_39 = arith.constant 0 : i32
    %dma_wait3A_40 = tpu.memref_slice %arg2[%dma_wait3A_38, %dma_wait3A_39] : memref<8192x256xf32, #tpu.memory_space<hbm>> -> memref<8192x256xf32, #tpu.memory_space<hbm>>
    tpu.wait_indirect_dma semaphore(%arg9 : memref<!tpu.dma_semaphore, #tpu.memory_space<semaphore_mem>>) src(%dma_wait3A_40 : memref<8192x256xf32, #tpu.memory_space<hbm>>) dst(%dma_wait3A_34 : memref<128x256xf32, #tpu.memory_space<vmem>>)
    "tpu.region"() ({
      %run_scoped3A = tpu.sem_alloc : memref<!tpu.dma_semaphore, #tpu.memory_space<semaphore_mem>>
      %dma_start3A_110 = arith.constant 0 : i32
      %dma_start3A_111 = tpu.memref_slice %arg4[%mul3A_2, %dma_start3A_110] : memref<8192x256xf32, #tpu.memory_space<hbm>> -> memref<256x256xf32, #tpu.memory_space<hbm>>
      %dma_start3A_112 = arith.constant 0 : i32
      %dma_start3A_113 = tpu.memref_slice %arg4[%mul3A_2, %dma_start3A_112] : memref<8192x256xf32, #tpu.memory_space<hbm>> -> memref<256x256xf32, #tpu.memory_space<hbm>>
      tpu.enqueue_dma source(%arg7 : memref<256x256xf32, #tpu.memory_space<vmem>>) target(%dma_start3A_113 : memref<256x256xf32, #tpu.memory_space<hbm>>) target_semaphore(%run_scoped3A : memref<!tpu.dma_semaphore, #tpu.memory_space<semaphore_mem>>)
      %dma_wait3A_114 = arith.constant 0 : i32
      %dma_wait3A_115 = tpu.memref_slice %arg4[%mul3A_2, %dma_wait3A_114] : memref<8192x256xf32, #tpu.memory_space<hbm>> -> memref<256x256xf32, #tpu.memory_space<hbm>>
      %dma_wait3A_116 = arith.constant 0 : i32
      %dma_wait3A_117 = tpu.memref_slice %arg4[%mul3A_2, %dma_wait3A_116] : memref<8192x256xf32, #tpu.memory_space<hbm>> -> memref<256x256xf32, #tpu.memory_space<hbm>>
      tpu.wait_dma2 semaphore(%run_scoped3A : memref<!tpu.dma_semaphore, #tpu.memory_space<semaphore_mem>>) src(%arg7 : memref<256x256xf32, #tpu.memory_space<vmem>>) dst(%dma_wait3A_117 : memref<256x256xf32, #tpu.memory_space<hbm>>)
      tpu.yield
    }) : () -> ()
    %scan3A = arith.constant 0 : i32
    %scan3A_41 = arith.constant 0 : i32
    %scan3A_42 = arith.constant 512 : i32
    %scan3A_43 = arith.addi %scan3A_41, %scan3A_42 : i32
    %scan3A_44 = arith.constant 1 : i32
    scf.for %scan3A_110 = %scan3A_41 to %scan3A_43 step %scan3A_44  : i32 {
      %broadcast_in_dim3A_111 = arith.constant 0 : i32
      %broadcast_in_dim3A_112 = vector.broadcast %broadcast_in_dim3A_111 : i32 to vector<16xi32>
      %mul3A_113 = arith.constant 16 : i32
      %mul3A_114 = arith.muli %scan3A_110, %mul3A_113 : i32
      %swap3A = arith.index_cast %mul3A_114 : i32 to index
      %swap3A_115 = tpu.vector_load %arg8[%swap3A] {strides = array<i32>} : memref<8192xi32, #tpu.memory_space<vmem>>, vector<16xi32>,
      tpu.vector_store %arg8[%swap3A], %broadcast_in_dim3A_112 {strides = array<i32>} : memref<8192xi32, #tpu.memory_space<vmem>>, vector<16xi32>,
    }
    %scan3A_45 = arith.constant 512 : i32
    %broadcast_in_dim3A = arith.constant 1 : i32
    %broadcast_in_dim3A_46 = vector.broadcast %broadcast_in_dim3A : i32 to vector<16xi32>
    %get3A = arith.constant 0 : i32
    %get3A_47 = arith.index_cast %get3A : i32 to index
    %get3A_48 = arith.constant 0 : index
    %get3A_49 = tpu.vector_load %arg6[%get3A_47, %get3A_48] {strides = array<i32>} : memref<2x128xi32, #tpu.memory_space<vmem>>, vector<16xi32>,
    tpu.vector_store_idx %arg8[%get3A_49], %broadcast_in_dim3A_46 {add = true} : memref<8192xi32, #tpu.memory_space<vmem>>[vector<16xi32>], vector<16xi32>,
    %get3A_50 = arith.constant 0 : i32
    %get3A_51 = arith.index_cast %get3A_50 : i32 to index
    %get3A_52 = arith.constant 16 : index
    %get3A_53 = tpu.vector_load %arg6[%get3A_51, %get3A_52] {strides = array<i32>} : memref<2x128xi32, #tpu.memory_space<vmem>>, vector<16xi32>,
    tpu.vector_store_idx %arg8[%get3A_53], %broadcast_in_dim3A_46 {add = true} : memref<8192xi32, #tpu.memory_space<vmem>>[vector<16xi32>], vector<16xi32>,
    %get3A_54 = arith.constant 0 : i32
    %get3A_55 = arith.index_cast %get3A_54 : i32 to index
    %get3A_56 = arith.constant 32 : index
    %get3A_57 = tpu.vector_load %arg6[%get3A_55, %get3A_56] {strides = array<i32>} : memref<2x128xi32, #tpu.memory_space<vmem>>, vector<16xi32>,
    tpu.vector_store_idx %arg8[%get3A_57], %broadcast_in_dim3A_46 {add = true} : memref<8192xi32, #tpu.memory_space<vmem>>[vector<16xi32>], vector<16xi32>,
    %get3A_58 = arith.constant 0 : i32
    %get3A_59 = arith.index_cast %get3A_58 : i32 to index
    %get3A_60 = arith.constant 48 : index
    %get3A_61 = tpu.vector_load %arg6[%get3A_59, %get3A_60] {strides = array<i32>} : memref<2x128xi32, #tpu.memory_space<vmem>>, vector<16xi32>,
    tpu.vector_store_idx %arg8[%get3A_61], %broadcast_in_dim3A_46 {add = true} : memref<8192xi32, #tpu.memory_space<vmem>>[vector<16xi32>], vector<16xi32>,
    %get3A_62 = arith.constant 0 : i32
    %get3A_63 = arith.index_cast %get3A_62 : i32 to index
    %get3A_64 = arith.constant 64 : index
    %get3A_65 = tpu.vector_load %arg6[%get3A_63, %get3A_64] {strides = array<i32>} : memref<2x128xi32, #tpu.memory_space<vmem>>, vector<16xi32>,
    tpu.vector_store_idx %arg8[%get3A_65], %broadcast_in_dim3A_46 {add = true} : memref<8192xi32, #tpu.memory_space<vmem>>[vector<16xi32>], vector<16xi32>,
    %get3A_66 = arith.constant 0 : i32
    %get3A_67 = arith.index_cast %get3A_66 : i32 to index
    %get3A_68 = arith.constant 80 : index
    %get3A_69 = tpu.vector_load %arg6[%get3A_67, %get3A_68] {strides = array<i32>} : memref<2x128xi32, #tpu.memory_space<vmem>>, vector<16xi32>,
    tpu.vector_store_idx %arg8[%get3A_69], %broadcast_in_dim3A_46 {add = true} : memref<8192xi32, #tpu.memory_space<vmem>>[vector<16xi32>], vector<16xi32>,
    %get3A_70 = arith.constant 0 : i32
    %get3A_71 = arith.index_cast %get3A_70 : i32 to index
    %get3A_72 = arith.constant 96 : index
    %get3A_73 = tpu.vector_load %arg6[%get3A_71, %get3A_72] {strides = array<i32>} : memref<2x128xi32, #tpu.memory_space<vmem>>, vector<16xi32>,
    tpu.vector_store_idx %arg8[%get3A_73], %broadcast_in_dim3A_46 {add = true} : memref<8192xi32, #tpu.memory_space<vmem>>[vector<16xi32>], vector<16xi32>,
    %get3A_74 = arith.constant 0 : i32
    %get3A_75 = arith.index_cast %get3A_74 : i32 to index
    %get3A_76 = arith.constant 112 : index
    %get3A_77 = tpu.vector_load %arg6[%get3A_75, %get3A_76] {strides = array<i32>} : memref<2x128xi32, #tpu.memory_space<vmem>>, vector<16xi32>,
    tpu.vector_store_idx %arg8[%get3A_77], %broadcast_in_dim3A_46 {add = true} : memref<8192xi32, #tpu.memory_space<vmem>>[vector<16xi32>], vector<16xi32>,
    %get3A_78 = arith.constant 1 : i32
    %get3A_79 = arith.index_cast %get3A_78 : i32 to index
    %get3A_80 = arith.constant 0 : index
    %get3A_81 = tpu.vector_load %arg6[%get3A_79, %get3A_80] {strides = array<i32>} : memref<2x128xi32, #tpu.memory_space<vmem>>, vector<16xi32>,
    tpu.vector_store_idx %arg8[%get3A_81], %broadcast_in_dim3A_46 {add = true} : memref<8192xi32, #tpu.memory_space<vmem>>[vector<16xi32>], vector<16xi32>,
    %get3A_82 = arith.constant 1 : i32
    %get3A_83 = arith.index_cast %get3A_82 : i32 to index
    %get3A_84 = arith.constant 16 : index
    %get3A_85 = tpu.vector_load %arg6[%get3A_83, %get3A_84] {strides = array<i32>} : memref<2x128xi32, #tpu.memory_space<vmem>>, vector<16xi32>,
    tpu.vector_store_idx %arg8[%get3A_85], %broadcast_in_dim3A_46 {add = true} : memref<8192xi32, #tpu.memory_space<vmem>>[vector<16xi32>], vector<16xi32>,
    %get3A_86 = arith.constant 1 : i32
    %get3A_87 = arith.index_cast %get3A_86 : i32 to index
    %get3A_88 = arith.constant 32 : index
    %get3A_89 = tpu.vector_load %arg6[%get3A_87, %get3A_88] {strides = array<i32>} : memref<2x128xi32, #tpu.memory_space<vmem>>, vector<16xi32>,
    tpu.vector_store_idx %arg8[%get3A_89], %broadcast_in_dim3A_46 {add = true} : memref<8192xi32, #tpu.memory_space<vmem>>[vector<16xi32>], vector<16xi32>,
    %get3A_90 = arith.constant 1 : i32
    %get3A_91 = arith.index_cast %get3A_90 : i32 to index
    %get3A_92 = arith.constant 48 : index
    %get3A_93 = tpu.vector_load %arg6[%get3A_91, %get3A_92] {strides = array<i32>} : memref<2x128xi32, #tpu.memory_space<vmem>>, vector<16xi32>,
    tpu.vector_store_idx %arg8[%get3A_93], %broadcast_in_dim3A_46 {add = true} : memref<8192xi32, #tpu.memory_space<vmem>>[vector<16xi32>], vector<16xi32>,
    %get3A_94 = arith.constant 1 : i32
    %get3A_95 = arith.index_cast %get3A_94 : i32 to index
    %get3A_96 = arith.constant 64 : index
    %get3A_97 = tpu.vector_load %arg6[%get3A_95, %get3A_96] {strides = array<i32>} : memref<2x128xi32, #tpu.memory_space<vmem>>, vector<16xi32>,
    tpu.vector_store_idx %arg8[%get3A_97], %broadcast_in_dim3A_46 {add = true} : memref<8192xi32, #tpu.memory_space<vmem>>[vector<16xi32>], vector<16xi32>,
    %get3A_98 = arith.constant 1 : i32
    %get3A_99 = arith.index_cast %get3A_98 : i32 to index
    %get3A_100 = arith.constant 80 : index
    %get3A_101 = tpu.vector_load %arg6[%get3A_99, %get3A_100] {strides = array<i32>} : memref<2x128xi32, #tpu.memory_space<vmem>>, vector<16xi32>,
    tpu.vector_store_idx %arg8[%get3A_101], %broadcast_in_dim3A_46 {add = true} : memref<8192xi32, #tpu.memory_space<vmem>>[vector<16xi32>], vector<16xi32>,
    %get3A_102 = arith.constant 1 : i32
    %get3A_103 = arith.index_cast %get3A_102 : i32 to index
    %get3A_104 = arith.constant 96 : index
    %get3A_105 = tpu.vector_load %arg6[%get3A_103, %get3A_104] {strides = array<i32>} : memref<2x128xi32, #tpu.memory_space<vmem>>, vector<16xi32>,
    tpu.vector_store_idx %arg8[%get3A_105], %broadcast_in_dim3A_46 {add = true} : memref<8192xi32, #tpu.memory_space<vmem>>[vector<16xi32>], vector<16xi32>,
    %get3A_106 = arith.constant 1 : i32
    %get3A_107 = arith.index_cast %get3A_106 : i32 to index
    %get3A_108 = arith.constant 112 : index
    %get3A_109 = tpu.vector_load %arg6[%get3A_107, %get3A_108] {strides = array<i32>} : memref<2x128xi32, #tpu.memory_space<vmem>>, vector<16xi32>,
    tpu.vector_store_idx %arg8[%get3A_109], %broadcast_in_dim3A_46 {add = true} : memref<8192xi32, #tpu.memory_space<vmem>>[vector<16xi32>], vector<16xi32>,
    "tpu.region"() ({
      %run_scoped3A = tpu.sem_alloc : memref<!tpu.dma_semaphore, #tpu.memory_space<semaphore_mem>>
      %dma_start3A_110 = arith.constant 0 : i32
      %dma_start3A_111 = tpu.memref_slice %arg5[%add3A, %dma_start3A_110] : memref<32x8192xi32, #tpu.memory_space<hbm>> -> memref<1x8192xi32, #tpu.memory_space<hbm>>
      %dma_start3A_112 = tpu.memref_squeeze %dma_start3A_111 : memref<1x8192xi32, #tpu.memory_space<hbm>> -> memref<8192xi32, #tpu.memory_space<hbm>>
      %dma_start3A_113 = arith.constant 0 : i32
      %dma_start3A_114 = tpu.memref_slice %arg5[%add3A, %dma_start3A_113] : memref<32x8192xi32, #tpu.memory_space<hbm>> -> memref<1x8192xi32, #tpu.memory_space<hbm>>
      %dma_start3A_115 = tpu.memref_squeeze %dma_start3A_114 : memref<1x8192xi32, #tpu.memory_space<hbm>> -> memref<8192xi32, #tpu.memory_space<hbm>>
      tpu.enqueue_dma source(%arg8 : memref<8192xi32, #tpu.memory_space<vmem>>) target(%dma_start3A_115 : memref<8192xi32, #tpu.memory_space<hbm>>) target_semaphore(%run_scoped3A : memref<!tpu.dma_semaphore, #tpu.memory_space<semaphore_mem>>)
      %dma_wait3A_116 = arith.constant 0 : i32
      %dma_wait3A_117 = tpu.memref_slice %arg5[%add3A, %dma_wait3A_116] : memref<32x8192xi32, #tpu.memory_space<hbm>> -> memref<1x8192xi32, #tpu.memory_space<hbm>>
      %dma_wait3A_118 = tpu.memref_squeeze %dma_wait3A_117 : memref<1x8192xi32, #tpu.memory_space<hbm>> -> memref<8192xi32, #tpu.memory_space<hbm>>
      %dma_wait3A_119 = arith.constant 0 : i32
      %dma_wait3A_120 = tpu.memref_slice %arg5[%add3A, %dma_wait3A_119] : memref<32x8192xi32, #tpu.memory_space<hbm>> -> memref<1x8192xi32, #tpu.memory_space<hbm>>
      %dma_wait3A_121 = tpu.memref_squeeze %dma_wait3A_120 : memref<1x8192xi32, #tpu.memory_space<hbm>> -> memref<8192xi32, #tpu.memory_space<hbm>>
      tpu.wait_dma2 semaphore(%run_scoped3A : memref<!tpu.dma_semaphore, #tpu.memory_space<semaphore_mem>>) src(%arg8 : memref<8192xi32, #tpu.memory_space<vmem>>) dst(%dma_wait3A_121 : memref<8192xi32, #tpu.memory_space<hbm>>)
      tpu.yield
    }) : () -> ()
    return
  }
}

module attributes {stable_mosaic.version = 14 : i64} {
  func.func @_dist_argmin_body(%arg0: i32, %arg1: memref<512x256xf32, #tpu.memory_space<vmem>>, %arg2: memref<8192x256xf32, #tpu.memory_space<vmem>>, %arg3: memref<512x1xf32, #tpu.memory_space<vmem>>, %arg4: memref<1x8192xf32, #tpu.memory_space<vmem>>, %arg5: memref<512x1xi32, #tpu.memory_space<vmem>>) attributes {dimension_semantics = [#tpu.dimension_semantics<arbitrary>], iteration_bounds = array<i64: 16>, scalar_prefetch = 0 : i64, scratch_operands = 0 : i64, tpu.core_type = #tpu.core_type<tc>, window_params = [{transform_indices = @transform_0, window_bounds = array<i64: 512, 256>}, {pipeline_mode = #tpu.pipeline_mode<synchronous>, transform_indices = @transform_1, window_bounds = array<i64: 8192, 256>}, {transform_indices = @transform_2, window_bounds = array<i64: 512, 1>}, {pipeline_mode = #tpu.pipeline_mode<synchronous>, transform_indices = @transform_3, window_bounds = array<i64: 1, 8192>}, {transform_indices = @transform_4, window_bounds = array<i64: 512, 1>}]} {
    %get3A = arith.constant 0 : index
    %get3A_0 = arith.constant 0 : index
    %get3A_1 = vector.load %arg1[%get3A, %get3A_0] : memref<512x256xf32, #tpu.memory_space<vmem>>, vector<512x256xf32>
    %get3A_2 = arith.constant 0 : index
    %get3A_3 = arith.constant 0 : index
    %get3A_4 = vector.load %arg3[%get3A_2, %get3A_3] : memref<512x1xf32, #tpu.memory_space<vmem>>, vector<512x1xf32>
    %get3A_5 = arith.constant 0 : index
    %get3A_6 = arith.constant 0 : index
    %get3A_7 = vector.load %arg2[%get3A_5, %get3A_6] : memref<8192x256xf32, #tpu.memory_space<vmem>>, vector<1024x256xf32>
    %dot_general3A = arith.constant dense<0.000000e+00> : vector<512x1024xf32>
    %dot_general3A_8 = tpu.matmul %get3A_1, %get3A_7, %dot_general3A {dimension_numbers = #tpu.dot_dimension_numbers<[1], [1], [0], [0], [0, 0, 1, 0], [], []>, transpose_lhs_hint = false} : vector<512x256xf32>, vector<1024x256xf32>, vector<512x1024xf32> -> vector<512x1024xf32>
    %get3A_9 = arith.constant 0 : index
    %get3A_10 = arith.constant 0 : index
    %get3A_11 = vector.load %arg4[%get3A_9, %get3A_10] : memref<1x8192xf32, #tpu.memory_space<vmem>>, vector<1x1024xf32>
    %add3A = vector.broadcast %get3A_4 : vector<512x1xf32> to vector<512x1024xf32>
    %add3A_12 = vector.broadcast %get3A_11 : vector<1x1024xf32> to vector<512x1024xf32>
    %add3A_13 = arith.addf %add3A, %add3A_12 : vector<512x1024xf32>
    %sub3A = arith.subf %add3A_13, %dot_general3A_8 : vector<512x1024xf32>
    %reduce_min3A = arith.constant dense<0x7F800000> : vector<512xf32>
    %reduce_min3A_14 = vector.multi_reduction <minimumf>, %sub3A, %reduce_min3A [1] : vector<512x1024xf32> to vector<512xf32>
    %broadcast_in_dim3A = vector.shape_cast %reduce_min3A_14 : vector<512xf32> to vector<512x1xf32>
    %iota3A = tpu.iota {dimensions = array<i32: 1>} : vector<512x1024xi32>
    %convert_element_type3A = arith.sitofp %iota3A : vector<512x1024xi32> to vector<512x1024xf32>
    %add3A_15 = arith.constant 0.000000e+00 : f32
    %add3A_16 = vector.broadcast %add3A_15 : f32 to vector<512x1024xf32>
    %add3A_17 = arith.addf %convert_element_type3A, %add3A_16 : vector<512x1024xf32>
    %eq3A = vector.broadcast %broadcast_in_dim3A : vector<512x1xf32> to vector<512x1024xf32>
    %eq3A_18 = arith.cmpf oeq, %sub3A, %eq3A : vector<512x1024xf32>
    %jit3A = arith.constant 0x7F800000 : f32
    %broadcast_in_dim3A_19 = vector.broadcast %jit3A : f32 to vector<512x1024xf32>
    %select_n3A = arith.select %eq3A_18, %add3A_17, %broadcast_in_dim3A_19 : vector<512x1024xi1>, vector<512x1024xf32>
    %reduce_min3A_20 = arith.constant dense<0x7F800000> : vector<512xf32>
    %reduce_min3A_21 = vector.multi_reduction <minimumf>, %select_n3A, %reduce_min3A_20 [1] : vector<512x1024xf32> to vector<512xf32>
    %broadcast_in_dim3A_22 = vector.shape_cast %reduce_min3A_21 : vector<512xf32> to vector<512x1xf32>
    %get3A_23 = arith.constant 1024 : index
    %get3A_24 = arith.constant 0 : index
    %get3A_25 = vector.load %arg2[%get3A_23, %get3A_24] : memref<8192x256xf32, #tpu.memory_space<vmem>>, vector<1024x256xf32>
    %dot_general3A_26 = arith.constant dense<0.000000e+00> : vector<512x1024xf32>
    %dot_general3A_27 = tpu.matmul %get3A_1, %get3A_25, %dot_general3A_26 {dimension_numbers = #tpu.dot_dimension_numbers<[1], [1], [0], [0], [0, 0, 1, 0], [], []>, transpose_lhs_hint = false} : vector<512x256xf32>, vector<1024x256xf32>, vector<512x1024xf32> -> vector<512x1024xf32>
    %get3A_28 = arith.constant 0 : index
    %get3A_29 = arith.constant 1024 : index
    %get3A_30 = vector.load %arg4[%get3A_28, %get3A_29] : memref<1x8192xf32, #tpu.memory_space<vmem>>, vector<1x1024xf32>
    %add3A_31 = vector.broadcast %get3A_4 : vector<512x1xf32> to vector<512x1024xf32>
    %add3A_32 = vector.broadcast %get3A_30 : vector<1x1024xf32> to vector<512x1024xf32>
    %add3A_33 = arith.addf %add3A_31, %add3A_32 : vector<512x1024xf32>
    %sub3A_34 = arith.subf %add3A_33, %dot_general3A_27 : vector<512x1024xf32>
    %reduce_min3A_35 = arith.constant dense<0x7F800000> : vector<512xf32>
    %reduce_min3A_36 = vector.multi_reduction <minimumf>, %sub3A_34, %reduce_min3A_35 [1] : vector<512x1024xf32> to vector<512xf32>
    %broadcast_in_dim3A_37 = vector.shape_cast %reduce_min3A_36 : vector<512xf32> to vector<512x1xf32>
    %iota3A_38 = tpu.iota {dimensions = array<i32: 1>} : vector<512x1024xi32>
    %convert_element_type3A_39 = arith.sitofp %iota3A_38 : vector<512x1024xi32> to vector<512x1024xf32>
    %add3A_40 = arith.constant 1.024000e+03 : f32
    %add3A_41 = vector.broadcast %add3A_40 : f32 to vector<512x1024xf32>
    %add3A_42 = arith.addf %convert_element_type3A_39, %add3A_41 : vector<512x1024xf32>
    %eq3A_43 = vector.broadcast %broadcast_in_dim3A_37 : vector<512x1xf32> to vector<512x1024xf32>
    %eq3A_44 = arith.cmpf oeq, %sub3A_34, %eq3A_43 : vector<512x1024xf32>
    %jit3A_45 = arith.constant 0x7F800000 : f32
    %broadcast_in_dim3A_46 = vector.broadcast %jit3A_45 : f32 to vector<512x1024xf32>
    %select_n3A_47 = arith.select %eq3A_44, %add3A_42, %broadcast_in_dim3A_46 : vector<512x1024xi1>, vector<512x1024xf32>
    %reduce_min3A_48 = arith.constant dense<0x7F800000> : vector<512xf32>
    %reduce_min3A_49 = vector.multi_reduction <minimumf>, %select_n3A_47, %reduce_min3A_48 [1] : vector<512x1024xf32> to vector<512xf32>
    %broadcast_in_dim3A_50 = vector.shape_cast %reduce_min3A_49 : vector<512xf32> to vector<512x1xf32>
    %lt3A = arith.cmpf olt, %broadcast_in_dim3A_37, %broadcast_in_dim3A : vector<512x1xf32>
    %select_n3A_51 = arith.select %lt3A, %broadcast_in_dim3A_50, %broadcast_in_dim3A_22 : vector<512x1xi1>, vector<512x1xf32>
    %select_n3A_52 = arith.select %lt3A, %broadcast_in_dim3A_37, %broadcast_in_dim3A : vector<512x1xi1>, vector<512x1xf32>
    %get3A_53 = arith.constant 2048 : index
    %get3A_54 = arith.constant 0 : index
    %get3A_55 = vector.load %arg2[%get3A_53, %get3A_54] : memref<8192x256xf32, #tpu.memory_space<vmem>>, vector<1024x256xf32>
    %dot_general3A_56 = arith.constant dense<0.000000e+00> : vector<512x1024xf32>
    %dot_general3A_57 = tpu.matmul %get3A_1, %get3A_55, %dot_general3A_56 {dimension_numbers = #tpu.dot_dimension_numbers<[1], [1], [0], [0], [0, 0, 1, 0], [], []>, transpose_lhs_hint = false} : vector<512x256xf32>, vector<1024x256xf32>, vector<512x1024xf32> -> vector<512x1024xf32>
    %get3A_58 = arith.constant 0 : index
    %get3A_59 = arith.constant 2048 : index
    %get3A_60 = vector.load %arg4[%get3A_58, %get3A_59] : memref<1x8192xf32, #tpu.memory_space<vmem>>, vector<1x1024xf32>
    %add3A_61 = vector.broadcast %get3A_4 : vector<512x1xf32> to vector<512x1024xf32>
    %add3A_62 = vector.broadcast %get3A_60 : vector<1x1024xf32> to vector<512x1024xf32>
    %add3A_63 = arith.addf %add3A_61, %add3A_62 : vector<512x1024xf32>
    %sub3A_64 = arith.subf %add3A_63, %dot_general3A_57 : vector<512x1024xf32>
    %reduce_min3A_65 = arith.constant dense<0x7F800000> : vector<512xf32>
    %reduce_min3A_66 = vector.multi_reduction <minimumf>, %sub3A_64, %reduce_min3A_65 [1] : vector<512x1024xf32> to vector<512xf32>
    %broadcast_in_dim3A_67 = vector.shape_cast %reduce_min3A_66 : vector<512xf32> to vector<512x1xf32>
    %iota3A_68 = tpu.iota {dimensions = array<i32: 1>} : vector<512x1024xi32>
    %convert_element_type3A_69 = arith.sitofp %iota3A_68 : vector<512x1024xi32> to vector<512x1024xf32>
    %add3A_70 = arith.constant 2.048000e+03 : f32
    %add3A_71 = vector.broadcast %add3A_70 : f32 to vector<512x1024xf32>
    %add3A_72 = arith.addf %convert_element_type3A_69, %add3A_71 : vector<512x1024xf32>
    %eq3A_73 = vector.broadcast %broadcast_in_dim3A_67 : vector<512x1xf32> to vector<512x1024xf32>
    %eq3A_74 = arith.cmpf oeq, %sub3A_64, %eq3A_73 : vector<512x1024xf32>
    %jit3A_75 = arith.constant 0x7F800000 : f32
    %broadcast_in_dim3A_76 = vector.broadcast %jit3A_75 : f32 to vector<512x1024xf32>
    %select_n3A_77 = arith.select %eq3A_74, %add3A_72, %broadcast_in_dim3A_76 : vector<512x1024xi1>, vector<512x1024xf32>
    %reduce_min3A_78 = arith.constant dense<0x7F800000> : vector<512xf32>
    %reduce_min3A_79 = vector.multi_reduction <minimumf>, %select_n3A_77, %reduce_min3A_78 [1] : vector<512x1024xf32> to vector<512xf32>
    %broadcast_in_dim3A_80 = vector.shape_cast %reduce_min3A_79 : vector<512xf32> to vector<512x1xf32>
    %lt3A_81 = arith.cmpf olt, %broadcast_in_dim3A_67, %select_n3A_52 : vector<512x1xf32>
    %select_n3A_82 = arith.select %lt3A_81, %broadcast_in_dim3A_80, %select_n3A_51 : vector<512x1xi1>, vector<512x1xf32>
    %select_n3A_83 = arith.select %lt3A_81, %broadcast_in_dim3A_67, %select_n3A_52 : vector<512x1xi1>, vector<512x1xf32>
    %get3A_84 = arith.constant 3072 : index
    %get3A_85 = arith.constant 0 : index
    %get3A_86 = vector.load %arg2[%get3A_84, %get3A_85] : memref<8192x256xf32, #tpu.memory_space<vmem>>, vector<1024x256xf32>
    %dot_general3A_87 = arith.constant dense<0.000000e+00> : vector<512x1024xf32>
    %dot_general3A_88 = tpu.matmul %get3A_1, %get3A_86, %dot_general3A_87 {dimension_numbers = #tpu.dot_dimension_numbers<[1], [1], [0], [0], [0, 0, 1, 0], [], []>, transpose_lhs_hint = false} : vector<512x256xf32>, vector<1024x256xf32>, vector<512x1024xf32> -> vector<512x1024xf32>
    %get3A_89 = arith.constant 0 : index
    %get3A_90 = arith.constant 3072 : index
    %get3A_91 = vector.load %arg4[%get3A_89, %get3A_90] : memref<1x8192xf32, #tpu.memory_space<vmem>>, vector<1x1024xf32>
    %add3A_92 = vector.broadcast %get3A_4 : vector<512x1xf32> to vector<512x1024xf32>
    %add3A_93 = vector.broadcast %get3A_91 : vector<1x1024xf32> to vector<512x1024xf32>
    %add3A_94 = arith.addf %add3A_92, %add3A_93 : vector<512x1024xf32>
    %sub3A_95 = arith.subf %add3A_94, %dot_general3A_88 : vector<512x1024xf32>
    %reduce_min3A_96 = arith.constant dense<0x7F800000> : vector<512xf32>
    %reduce_min3A_97 = vector.multi_reduction <minimumf>, %sub3A_95, %reduce_min3A_96 [1] : vector<512x1024xf32> to vector<512xf32>
    %broadcast_in_dim3A_98 = vector.shape_cast %reduce_min3A_97 : vector<512xf32> to vector<512x1xf32>
    %iota3A_99 = tpu.iota {dimensions = array<i32: 1>} : vector<512x1024xi32>
    %convert_element_type3A_100 = arith.sitofp %iota3A_99 : vector<512x1024xi32> to vector<512x1024xf32>
    %add3A_101 = arith.constant 3.072000e+03 : f32
    %add3A_102 = vector.broadcast %add3A_101 : f32 to vector<512x1024xf32>
    %add3A_103 = arith.addf %convert_element_type3A_100, %add3A_102 : vector<512x1024xf32>
    %eq3A_104 = vector.broadcast %broadcast_in_dim3A_98 : vector<512x1xf32> to vector<512x1024xf32>
    %eq3A_105 = arith.cmpf oeq, %sub3A_95, %eq3A_104 : vector<512x1024xf32>
    %jit3A_106 = arith.constant 0x7F800000 : f32
    %broadcast_in_dim3A_107 = vector.broadcast %jit3A_106 : f32 to vector<512x1024xf32>
    %select_n3A_108 = arith.select %eq3A_105, %add3A_103, %broadcast_in_dim3A_107 : vector<512x1024xi1>, vector<512x1024xf32>
    %reduce_min3A_109 = arith.constant dense<0x7F800000> : vector<512xf32>
    %reduce_min3A_110 = vector.multi_reduction <minimumf>, %select_n3A_108, %reduce_min3A_109 [1] : vector<512x1024xf32> to vector<512xf32>
    %broadcast_in_dim3A_111 = vector.shape_cast %reduce_min3A_110 : vector<512xf32> to vector<512x1xf32>
    %lt3A_112 = arith.cmpf olt, %broadcast_in_dim3A_98, %select_n3A_83 : vector<512x1xf32>
    %select_n3A_113 = arith.select %lt3A_112, %broadcast_in_dim3A_111, %select_n3A_82 : vector<512x1xi1>, vector<512x1xf32>
    %select_n3A_114 = arith.select %lt3A_112, %broadcast_in_dim3A_98, %select_n3A_83 : vector<512x1xi1>, vector<512x1xf32>
    %convert_element_type3A_115 = arith.truncf %select_n3A_114 : vector<512x1xf32> to vector<512x1xbf16>
    %convert_element_type3A_116 = arith.extf %convert_element_type3A_115 : vector<512x1xbf16> to vector<512x1xf32>
    %get3A_117 = arith.constant 4096 : index
    %get3A_118 = arith.constant 0 : index
    %get3A_119 = vector.load %arg2[%get3A_117, %get3A_118] : memref<8192x256xf32, #tpu.memory_space<vmem>>, vector<1024x256xf32>
    %dot_general3A_120 = arith.constant dense<0.000000e+00> : vector<512x1024xf32>
    %dot_general3A_121 = tpu.matmul %get3A_1, %get3A_119, %dot_general3A_120 {dimension_numbers = #tpu.dot_dimension_numbers<[1], [1], [0], [0], [0, 0, 1, 0], [], []>, transpose_lhs_hint = false} : vector<512x256xf32>, vector<1024x256xf32>, vector<512x1024xf32> -> vector<512x1024xf32>
    %get3A_122 = arith.constant 0 : index
    %get3A_123 = arith.constant 4096 : index
    %get3A_124 = vector.load %arg4[%get3A_122, %get3A_123] : memref<1x8192xf32, #tpu.memory_space<vmem>>, vector<1x1024xf32>
    %add3A_125 = vector.broadcast %get3A_4 : vector<512x1xf32> to vector<512x1024xf32>
    %add3A_126 = vector.broadcast %get3A_124 : vector<1x1024xf32> to vector<512x1024xf32>
    %add3A_127 = arith.addf %add3A_125, %add3A_126 : vector<512x1024xf32>
    %sub3A_128 = arith.subf %add3A_127, %dot_general3A_121 : vector<512x1024xf32>
    %reduce_min3A_129 = arith.constant dense<0x7F800000> : vector<512xf32>
    %reduce_min3A_130 = vector.multi_reduction <minimumf>, %sub3A_128, %reduce_min3A_129 [1] : vector<512x1024xf32> to vector<512xf32>
    %broadcast_in_dim3A_131 = vector.shape_cast %reduce_min3A_130 : vector<512xf32> to vector<512x1xf32>
    %iota3A_132 = tpu.iota {dimensions = array<i32: 1>} : vector<512x1024xi32>
    %convert_element_type3A_133 = arith.sitofp %iota3A_132 : vector<512x1024xi32> to vector<512x1024xf32>
    %add3A_134 = arith.constant 4.096000e+03 : f32
    %add3A_135 = vector.broadcast %add3A_134 : f32 to vector<512x1024xf32>
    %add3A_136 = arith.addf %convert_element_type3A_133, %add3A_135 : vector<512x1024xf32>
    %eq3A_137 = vector.broadcast %broadcast_in_dim3A_131 : vector<512x1xf32> to vector<512x1024xf32>
    %eq3A_138 = arith.cmpf oeq, %sub3A_128, %eq3A_137 : vector<512x1024xf32>
    %jit3A_139 = arith.constant 0x7F800000 : f32
    %broadcast_in_dim3A_140 = vector.broadcast %jit3A_139 : f32 to vector<512x1024xf32>
    %select_n3A_141 = arith.select %eq3A_138, %add3A_136, %broadcast_in_dim3A_140 : vector<512x1024xi1>, vector<512x1024xf32>
    %reduce_min3A_142 = arith.constant dense<0x7F800000> : vector<512xf32>
    %reduce_min3A_143 = vector.multi_reduction <minimumf>, %select_n3A_141, %reduce_min3A_142 [1] : vector<512x1024xf32> to vector<512xf32>
    %broadcast_in_dim3A_144 = vector.shape_cast %reduce_min3A_143 : vector<512xf32> to vector<512x1xf32>
    %get3A_145 = arith.constant 5120 : index
    %get3A_146 = arith.constant 0 : index
    %get3A_147 = vector.load %arg2[%get3A_145, %get3A_146] : memref<8192x256xf32, #tpu.memory_space<vmem>>, vector<1024x256xf32>
    %dot_general3A_148 = arith.constant dense<0.000000e+00> : vector<512x1024xf32>
    %dot_general3A_149 = tpu.matmul %get3A_1, %get3A_147, %dot_general3A_148 {dimension_numbers = #tpu.dot_dimension_numbers<[1], [1], [0], [0], [0, 0, 1, 0], [], []>, transpose_lhs_hint = false} : vector<512x256xf32>, vector<1024x256xf32>, vector<512x1024xf32> -> vector<512x1024xf32>
    %get3A_150 = arith.constant 0 : index
    %get3A_151 = arith.constant 5120 : index
    %get3A_152 = vector.load %arg4[%get3A_150, %get3A_151] : memref<1x8192xf32, #tpu.memory_space<vmem>>, vector<1x1024xf32>
    %add3A_153 = vector.broadcast %get3A_4 : vector<512x1xf32> to vector<512x1024xf32>
    %add3A_154 = vector.broadcast %get3A_152 : vector<1x1024xf32> to vector<512x1024xf32>
    %add3A_155 = arith.addf %add3A_153, %add3A_154 : vector<512x1024xf32>
    %sub3A_156 = arith.subf %add3A_155, %dot_general3A_149 : vector<512x1024xf32>
    %reduce_min3A_157 = arith.constant dense<0x7F800000> : vector<512xf32>
    %reduce_min3A_158 = vector.multi_reduction <minimumf>, %sub3A_156, %reduce_min3A_157 [1] : vector<512x1024xf32> to vector<512xf32>
    %broadcast_in_dim3A_159 = vector.shape_cast %reduce_min3A_158 : vector<512xf32> to vector<512x1xf32>
    %iota3A_160 = tpu.iota {dimensions = array<i32: 1>} : vector<512x1024xi32>
    %convert_element_type3A_161 = arith.sitofp %iota3A_160 : vector<512x1024xi32> to vector<512x1024xf32>
    %add3A_162 = arith.constant 5.120000e+03 : f32
    %add3A_163 = vector.broadcast %add3A_162 : f32 to vector<512x1024xf32>
    %add3A_164 = arith.addf %convert_element_type3A_161, %add3A_163 : vector<512x1024xf32>
    %eq3A_165 = vector.broadcast %broadcast_in_dim3A_159 : vector<512x1xf32> to vector<512x1024xf32>
    %eq3A_166 = arith.cmpf oeq, %sub3A_156, %eq3A_165 : vector<512x1024xf32>
    %jit3A_167 = arith.constant 0x7F800000 : f32
    %broadcast_in_dim3A_168 = vector.broadcast %jit3A_167 : f32 to vector<512x1024xf32>
    %select_n3A_169 = arith.select %eq3A_166, %add3A_164, %broadcast_in_dim3A_168 : vector<512x1024xi1>, vector<512x1024xf32>
    %reduce_min3A_170 = arith.constant dense<0x7F800000> : vector<512xf32>
    %reduce_min3A_171 = vector.multi_reduction <minimumf>, %select_n3A_169, %reduce_min3A_170 [1] : vector<512x1024xf32> to vector<512xf32>
    %broadcast_in_dim3A_172 = vector.shape_cast %reduce_min3A_171 : vector<512xf32> to vector<512x1xf32>
    %lt3A_173 = arith.cmpf olt, %broadcast_in_dim3A_159, %broadcast_in_dim3A_131 : vector<512x1xf32>
    %select_n3A_174 = arith.select %lt3A_173, %broadcast_in_dim3A_172, %broadcast_in_dim3A_144 : vector<512x1xi1>, vector<512x1xf32>
    %select_n3A_175 = arith.select %lt3A_173, %broadcast_in_dim3A_159, %broadcast_in_dim3A_131 : vector<512x1xi1>, vector<512x1xf32>
    %get3A_176 = arith.constant 6144 : index
    %get3A_177 = arith.constant 0 : index
    %get3A_178 = vector.load %arg2[%get3A_176, %get3A_177] : memref<8192x256xf32, #tpu.memory_space<vmem>>, vector<1024x256xf32>
    %dot_general3A_179 = arith.constant dense<0.000000e+00> : vector<512x1024xf32>
    %dot_general3A_180 = tpu.matmul %get3A_1, %get3A_178, %dot_general3A_179 {dimension_numbers = #tpu.dot_dimension_numbers<[1], [1], [0], [0], [0, 0, 1, 0], [], []>, transpose_lhs_hint = false} : vector<512x256xf32>, vector<1024x256xf32>, vector<512x1024xf32> -> vector<512x1024xf32>
    %get3A_181 = arith.constant 0 : index
    %get3A_182 = arith.constant 6144 : index
    %get3A_183 = vector.load %arg4[%get3A_181, %get3A_182] : memref<1x8192xf32, #tpu.memory_space<vmem>>, vector<1x1024xf32>
    %add3A_184 = vector.broadcast %get3A_4 : vector<512x1xf32> to vector<512x1024xf32>
    %add3A_185 = vector.broadcast %get3A_183 : vector<1x1024xf32> to vector<512x1024xf32>
    %add3A_186 = arith.addf %add3A_184, %add3A_185 : vector<512x1024xf32>
    %sub3A_187 = arith.subf %add3A_186, %dot_general3A_180 : vector<512x1024xf32>
    %reduce_min3A_188 = arith.constant dense<0x7F800000> : vector<512xf32>
    %reduce_min3A_189 = vector.multi_reduction <minimumf>, %sub3A_187, %reduce_min3A_188 [1] : vector<512x1024xf32> to vector<512xf32>
    %broadcast_in_dim3A_190 = vector.shape_cast %reduce_min3A_189 : vector<512xf32> to vector<512x1xf32>
    %iota3A_191 = tpu.iota {dimensions = array<i32: 1>} : vector<512x1024xi32>
    %convert_element_type3A_192 = arith.sitofp %iota3A_191 : vector<512x1024xi32> to vector<512x1024xf32>
    %add3A_193 = arith.constant 6.144000e+03 : f32
    %add3A_194 = vector.broadcast %add3A_193 : f32 to vector<512x1024xf32>
    %add3A_195 = arith.addf %convert_element_type3A_192, %add3A_194 : vector<512x1024xf32>
    %eq3A_196 = vector.broadcast %broadcast_in_dim3A_190 : vector<512x1xf32> to vector<512x1024xf32>
    %eq3A_197 = arith.cmpf oeq, %sub3A_187, %eq3A_196 : vector<512x1024xf32>
    %jit3A_198 = arith.constant 0x7F800000 : f32
    %broadcast_in_dim3A_199 = vector.broadcast %jit3A_198 : f32 to vector<512x1024xf32>
    %select_n3A_200 = arith.select %eq3A_197, %add3A_195, %broadcast_in_dim3A_199 : vector<512x1024xi1>, vector<512x1024xf32>
    %reduce_min3A_201 = arith.constant dense<0x7F800000> : vector<512xf32>
    %reduce_min3A_202 = vector.multi_reduction <minimumf>, %select_n3A_200, %reduce_min3A_201 [1] : vector<512x1024xf32> to vector<512xf32>
    %broadcast_in_dim3A_203 = vector.shape_cast %reduce_min3A_202 : vector<512xf32> to vector<512x1xf32>
    %lt3A_204 = arith.cmpf olt, %broadcast_in_dim3A_190, %select_n3A_175 : vector<512x1xf32>
    %select_n3A_205 = arith.select %lt3A_204, %broadcast_in_dim3A_203, %select_n3A_174 : vector<512x1xi1>, vector<512x1xf32>
    %select_n3A_206 = arith.select %lt3A_204, %broadcast_in_dim3A_190, %select_n3A_175 : vector<512x1xi1>, vector<512x1xf32>
    %get3A_207 = arith.constant 7168 : index
    %get3A_208 = arith.constant 0 : index
    %get3A_209 = vector.load %arg2[%get3A_207, %get3A_208] : memref<8192x256xf32, #tpu.memory_space<vmem>>, vector<1024x256xf32>
    %dot_general3A_210 = arith.constant dense<0.000000e+00> : vector<512x1024xf32>
    %dot_general3A_211 = tpu.matmul %get3A_1, %get3A_209, %dot_general3A_210 {dimension_numbers = #tpu.dot_dimension_numbers<[1], [1], [0], [0], [0, 0, 1, 0], [], []>, transpose_lhs_hint = false} : vector<512x256xf32>, vector<1024x256xf32>, vector<512x1024xf32> -> vector<512x1024xf32>
    %get3A_212 = arith.constant 0 : index
    %get3A_213 = arith.constant 7168 : index
    %get3A_214 = vector.load %arg4[%get3A_212, %get3A_213] : memref<1x8192xf32, #tpu.memory_space<vmem>>, vector<1x1024xf32>
    %add3A_215 = vector.broadcast %get3A_4 : vector<512x1xf32> to vector<512x1024xf32>
    %add3A_216 = vector.broadcast %get3A_214 : vector<1x1024xf32> to vector<512x1024xf32>
    %add3A_217 = arith.addf %add3A_215, %add3A_216 : vector<512x1024xf32>
    %sub3A_218 = arith.subf %add3A_217, %dot_general3A_211 : vector<512x1024xf32>
    %reduce_min3A_219 = arith.constant dense<0x7F800000> : vector<512xf32>
    %reduce_min3A_220 = vector.multi_reduction <minimumf>, %sub3A_218, %reduce_min3A_219 [1] : vector<512x1024xf32> to vector<512xf32>
    %broadcast_in_dim3A_221 = vector.shape_cast %reduce_min3A_220 : vector<512xf32> to vector<512x1xf32>
    %iota3A_222 = tpu.iota {dimensions = array<i32: 1>} : vector<512x1024xi32>
    %convert_element_type3A_223 = arith.sitofp %iota3A_222 : vector<512x1024xi32> to vector<512x1024xf32>
    %add3A_224 = arith.constant 7.168000e+03 : f32
    %add3A_225 = vector.broadcast %add3A_224 : f32 to vector<512x1024xf32>
    %add3A_226 = arith.addf %convert_element_type3A_223, %add3A_225 : vector<512x1024xf32>
    %eq3A_227 = vector.broadcast %broadcast_in_dim3A_221 : vector<512x1xf32> to vector<512x1024xf32>
    %eq3A_228 = arith.cmpf oeq, %sub3A_218, %eq3A_227 : vector<512x1024xf32>
    %jit3A_229 = arith.constant 0x7F800000 : f32
    %broadcast_in_dim3A_230 = vector.broadcast %jit3A_229 : f32 to vector<512x1024xf32>
    %select_n3A_231 = arith.select %eq3A_228, %add3A_226, %broadcast_in_dim3A_230 : vector<512x1024xi1>, vector<512x1024xf32>
    %reduce_min3A_232 = arith.constant dense<0x7F800000> : vector<512xf32>
    %reduce_min3A_233 = vector.multi_reduction <minimumf>, %select_n3A_231, %reduce_min3A_232 [1] : vector<512x1024xf32> to vector<512xf32>
    %broadcast_in_dim3A_234 = vector.shape_cast %reduce_min3A_233 : vector<512xf32> to vector<512x1xf32>
    %lt3A_235 = arith.cmpf olt, %broadcast_in_dim3A_221, %select_n3A_206 : vector<512x1xf32>
    %select_n3A_236 = arith.select %lt3A_235, %broadcast_in_dim3A_234, %select_n3A_205 : vector<512x1xi1>, vector<512x1xf32>
    %select_n3A_237 = arith.select %lt3A_235, %broadcast_in_dim3A_221, %select_n3A_206 : vector<512x1xi1>, vector<512x1xf32>
    %lt3A_238 = arith.cmpf olt, %select_n3A_237, %convert_element_type3A_116 : vector<512x1xf32>
    %select_n3A_239 = arith.select %lt3A_238, %select_n3A_236, %select_n3A_113 : vector<512x1xi1>, vector<512x1xf32>
    %convert_element_type3A_240 = arith.fptosi %select_n3A_239 : vector<512x1xf32> to vector<512x1xi32>
    %swap3A = arith.constant 0 : index
    %swap3A_241 = arith.constant 0 : index
    %swap3A_242 = vector.load %arg5[%swap3A, %swap3A_241] : memref<512x1xi32, #tpu.memory_space<vmem>>, vector<512x1xi32>
    tpu.vector_store %arg5[%swap3A, %swap3A_241], %convert_element_type3A_240 {strides = array<i32>} : memref<512x1xi32, #tpu.memory_space<vmem>>, vector<512x1xi32>,
    return
  }
  func.func @transform_0(%arg0: i32) -> (i32, i32) {
    %c0_i32 = arith.constant 0 : i32
    %c0_i32_0 = arith.constant 0 : i32
    return %arg0, %c0_i32 : i32, i32
  }
  func.func @transform_1(%arg0: i32) -> (i32, i32) {
    %c0_i32 = arith.constant 0 : i32
    %c0_i32_0 = arith.constant 0 : i32
    %c0_i32_1 = arith.constant 0 : i32
    return %c0_i32, %c0_i32_0 : i32, i32
  }
  func.func @transform_2(%arg0: i32) -> (i32, i32) {
    %c0_i32 = arith.constant 0 : i32
    %c0_i32_0 = arith.constant 0 : i32
    return %arg0, %c0_i32 : i32, i32
  }
  func.func @transform_3(%arg0: i32) -> (i32, i32) {
    %c0_i32 = arith.constant 0 : i32
    %c0_i32_0 = arith.constant 0 : i32
    %c0_i32_1 = arith.constant 0 : i32
    return %c0_i32, %c0_i32_0 : i32, i32
  }
  func.func @transform_4(%arg0: i32) -> (i32, i32) {
    %c0_i32 = arith.constant 0 : i32
    %c0_i32_0 = arith.constant 0 : i32
    return %arg0, %c0_i32 : i32, i32
  }
}

module attributes {stable_mosaic.version = 14 : i64} {
  func.func @_final_body(%arg0: i32, %arg1: memref<1024x256xf32, #tpu.memory_space<vmem>>, %arg2: memref<1024x256xf32, #tpu.memory_space<vmem>>, %arg3: memref<32x8192xi32, #tpu.memory_space<vmem>>, %arg4: memref<1024x256xf32, #tpu.memory_space<vmem>>, %arg5: memref<1x1xf32, #tpu.memory_space<smem>>, %arg6: memref<1x1xf32, #tpu.memory_space<smem>>, %arg7: memref<1xf32, #tpu.memory_space<smem>>) attributes {dimension_semantics = [#tpu.dimension_semantics<arbitrary>], iteration_bounds = array<i64: 8>, scalar_prefetch = 0 : i64, scratch_operands = 1 : i64, tpu.core_type = #tpu.core_type<tc>, window_params = [{transform_indices = @transform_0, window_bounds = array<i64: 1024, 256>}, {transform_indices = @transform_1, window_bounds = array<i64: 1024, 256>}, {pipeline_mode = #tpu.pipeline_mode<synchronous>, transform_indices = @transform_2, window_bounds = array<i64: 32, 8192>}, {transform_indices = @transform_3, window_bounds = array<i64: 1024, 256>}, {transform_indices = @transform_4, window_bounds = array<i64: 1, 1>}, {transform_indices = @transform_5, window_bounds = array<i64: 1, 1>}]} {
    %get3A = arith.constant 0 : index
    %get3A_0 = arith.constant 0 : index
    %get3A_1 = vector.load %arg1[%get3A, %get3A_0] : memref<1024x256xf32, #tpu.memory_space<vmem>>, vector<1024x256xf32>
    %get3A_2 = arith.constant 0 : index
    %get3A_3 = arith.constant 0 : index
    %get3A_4 = vector.load %arg2[%get3A_2, %get3A_3] : memref<1024x256xf32, #tpu.memory_space<vmem>>, vector<1024x256xf32>
    %sub3A = arith.subf %get3A_4, %get3A_1 : vector<1024x256xf32>
    %add3A = arith.addf %get3A_1, %sub3A : vector<1024x256xf32>
    %swap3A = arith.constant 0 : index
    %swap3A_5 = arith.constant 0 : index
    %swap3A_6 = vector.load %arg4[%swap3A, %swap3A_5] : memref<1024x256xf32, #tpu.memory_space<vmem>>, vector<1024x256xf32>
    tpu.vector_store %arg4[%swap3A, %swap3A_5], %add3A {strides = array<i32>} : memref<1024x256xf32, #tpu.memory_space<vmem>>, vector<1024x256xf32>,
    %mul3A = arith.mulf %sub3A, %sub3A : vector<1024x256xf32>
    %reduce_sum3A = vector.shape_cast %mul3A : vector<1024x256xf32> to vector<1x1024x256xf32>
    %reduce_sum3A_7 = arith.constant dense<0.000000e+00> : vector<1xf32>
    %reduce_sum3A_8 = vector.multi_reduction <add>, %reduce_sum3A, %reduce_sum3A_7 [1, 2] : vector<1x1024x256xf32> to vector<1xf32>
    %reduce_sum3A_9 = vector.shape_cast %reduce_sum3A_8 : vector<1xf32> to vector<1x1x1xf32>
    %reduce_sum3A_10 = vector.extract %reduce_sum3A_9[0, 0, 0] : f32 from vector<1x1x1xf32>
    %eq3A = arith.constant 0 : i32
    %eq3A_11 = arith.cmpi eq, %arg0, %eq3A : i32
    %convert_element_type3A = arith.extui %eq3A_11 : i1 to i32
    %cond3A = arith.constant 0 : i32
    %cond3A_12 = arith.cmpi ne, %convert_element_type3A, %cond3A : i32
    scf.if %cond3A_12 {
      %swap3A_22 = arith.constant 0 : index
      %swap3A_23 = memref.load %arg7[%swap3A_22] : memref<1xf32, #tpu.memory_space<smem>>
      memref.store %reduce_sum3A_10, %arg7[%swap3A_22] : memref<1xf32, #tpu.memory_space<smem>>
    } else {
    }
    %gt3A = arith.constant 0 : i32
    %gt3A_13 = arith.cmpi sgt, %arg0, %gt3A : i32
    %convert_element_type3A_14 = arith.extui %gt3A_13 : i1 to i32
    %cond3A_15 = arith.constant 0 : i32
    %cond3A_16 = arith.cmpi ne, %convert_element_type3A_14, %cond3A_15 : i32
    scf.if %cond3A_16 {
      %get3A_22 = arith.constant 0 : index
      %get3A_23 = memref.load %arg7[%get3A_22] : memref<1xf32, #tpu.memory_space<smem>>
      %add3A_24 = arith.addf %get3A_23, %reduce_sum3A_10 : f32
      %swap3A_25 = arith.constant 0 : index
      %swap3A_26 = memref.load %arg7[%swap3A_25] : memref<1xf32, #tpu.memory_space<smem>>
      memref.store %add3A_24, %arg7[%swap3A_25] : memref<1xf32, #tpu.memory_space<smem>>
    } else {
    }
    %eq3A_17 = arith.constant 7 : i32
    %eq3A_18 = arith.cmpi eq, %arg0, %eq3A_17 : i32
    %convert_element_type3A_19 = arith.extui %eq3A_18 : i1 to i32
    %cond3A_20 = arith.constant 0 : i32
    %cond3A_21 = arith.cmpi ne, %convert_element_type3A_19, %cond3A_20 : i32
    scf.if %cond3A_21 {
      %get3A_22 = arith.constant 0 : index
      %get3A_23 = memref.load %arg7[%get3A_22] : memref<1xf32, #tpu.memory_space<smem>>
      %div3A = arith.constant 0x4A000000 : f32
      %div3A_24 = arith.divf %get3A_23, %div3A : f32
      %mul3A_25 = arith.constant 1.250000e+00 : f32
      %mul3A_26 = arith.mulf %mul3A_25, %div3A_24 : f32
      %swap3A_27 = arith.constant 0 : index
      %swap3A_28 = arith.constant 0 : index
      %swap3A_29 = memref.load %arg5[%swap3A_27, %swap3A_28] : memref<1x1xf32, #tpu.memory_space<smem>>
      memref.store %mul3A_26, %arg5[%swap3A_27, %swap3A_28] : memref<1x1xf32, #tpu.memory_space<smem>>
      %get3A_30 = arith.constant 0 : index
      %get3A_31 = arith.constant 0 : index
      %get3A_32 = vector.load %arg3[%get3A_30, %get3A_31] : memref<32x8192xi32, #tpu.memory_space<vmem>>, vector<32x8192xi32>
      %convert_element_type3A_33 = arith.sitofp %get3A_32 : vector<32x8192xi32> to vector<32x8192xf32>
      %reduce_sum3A_34 = arith.constant dense<0.000000e+00> : vector<8192xf32>
      %reduce_sum3A_35 = vector.multi_reduction <add>, %convert_element_type3A_33, %reduce_sum3A_34 [0] : vector<32x8192xf32> to vector<8192xf32>
      %broadcast_in_dim3A = vector.shape_cast %reduce_sum3A_35 : vector<8192xf32> to vector<1x8192xf32>
      %div3A_36 = arith.constant 8.192000e+03 : f32
      %div3A_37 = vector.broadcast %div3A_36 : f32 to vector<1x8192xf32>
      %div3A_38 = arith.divf %broadcast_in_dim3A, %div3A_37 : vector<1x8192xf32>
      %add3A_39 = arith.constant 1.000000e-10 : f32
      %add3A_40 = vector.broadcast %add3A_39 : f32 to vector<1x8192xf32>
      %add3A_41 = arith.addf %div3A_38, %add3A_40 : vector<1x8192xf32>
      %log3A = math.log %add3A_41 : vector<1x8192xf32>
      %mul3A_42 = arith.mulf %div3A_38, %log3A : vector<1x8192xf32>
      %reduce_sum3A_43 = vector.shape_cast %mul3A_42 : vector<1x8192xf32> to vector<1x1x8192xf32>
      %reduce_sum3A_44 = arith.constant dense<0.000000e+00> : vector<1xf32>
      %reduce_sum3A_45 = vector.multi_reduction <add>, %reduce_sum3A_43, %reduce_sum3A_44 [1, 2] : vector<1x1x8192xf32> to vector<1xf32>
      %reduce_sum3A_46 = vector.shape_cast %reduce_sum3A_45 : vector<1xf32> to vector<1x1x1xf32>
      %reduce_sum3A_47 = vector.extract %reduce_sum3A_46[0, 0, 0] : f32 from vector<1x1x1xf32>
      %neg3A = arith.constant 0.000000e+00 : f32
      %neg3A_48 = arith.subf %neg3A, %reduce_sum3A_47 : f32
      %exp3A = math.exp %neg3A_48 : f32
      %swap3A_49 = arith.constant 0 : index
      %swap3A_50 = arith.constant 0 : index
      %swap3A_51 = memref.load %arg6[%swap3A_49, %swap3A_50] : memref<1x1xf32, #tpu.memory_space<smem>>
      memref.store %exp3A, %arg6[%swap3A_49, %swap3A_50] : memref<1x1xf32, #tpu.memory_space<smem>>
    } else {
    }
    return
  }
  func.func @transform_0(%arg0: i32) -> (i32, i32) {
    %c0_i32 = arith.constant 0 : i32
    %c0_i32_0 = arith.constant 0 : i32
    return %arg0, %c0_i32 : i32, i32
  }
  func.func @transform_1(%arg0: i32) -> (i32, i32) {
    %c0_i32 = arith.constant 0 : i32
    %c0_i32_0 = arith.constant 0 : i32
    return %arg0, %c0_i32 : i32, i32
  }
  func.func @transform_2(%arg0: i32) -> (i32, i32) {
    %c0_i32 = arith.constant 0 : i32
    %c0_i32_0 = arith.constant 0 : i32
    %c0_i32_1 = arith.constant 0 : i32
    return %c0_i32, %c0_i32_0 : i32, i32
  }
  func.func @transform_3(%arg0: i32) -> (i32, i32) {
    %c0_i32 = arith.constant 0 : i32
    %c0_i32_0 = arith.constant 0 : i32
    return %arg0, %c0_i32 : i32, i32
  }
  func.func @transform_4(%arg0: i32) -> (i32, i32) {
    %c0_i32 = arith.constant 0 : i32
    %c0_i32_0 = arith.constant 0 : i32
    %c0_i32_1 = arith.constant 0 : i32
    return %c0_i32, %c0_i32_0 : i32, i32
  }
  func.func @transform_5(%arg0: i32) -> (i32, i32) {
    %c0_i32 = arith.constant 0 : i32
    %c0_i32_0 = arith.constant 0 : i32
    %c0_i32_1 = arith.constant 0 : i32
    return %c0_i32, %c0_i32_0 : i32, i32
  }
}

</mosaic_0001>

<sc_bundles>
// kernel: kernel.5.cloned.1.call-start
scs
__scs_entry_jumppad:
0x0: {  	(pc) =	sbr.rel $0x88, $3  }
0x1: {  	(tag) =	ssettag $0x0;
	lr =	simm.s32 $0x1  }
0x2: {  	[smem:$0x3F9F] =	sst lr;
	_ =	strace $0xD0000000  }
0x3: {  	_ = 	snop  }
0x4: {  	_ = 	snop  }
0x5: {  	_ = 	snop  }
0x6: {  	_ = 	snop  }
0x7: {  	_ = 	snop  }
__scs_overlays_trampoline_lowered:
0x8: {  	[smem:$0x3FAE] =	sst s0  }
0x9: {  	[smem:$0x3FAF] =	sst s1  }
0xa: {  	[smem:$0x3FB0] =	sst s2  }
0xb: {  	[smem:$0x3FB1] =	sst s3  }
0xc: {  	[smem:$0x3FB2] =	sst s4  }
0xd: {  	[smem:$0x3FB3] =	sst s5  }
0xe: {  	[smem:$0x3FB4] =	sst s6  }
0xf: {  	[smem:$0x3FB5] =	sst s7  }
0x10: {  	[smem:$0x3FB6] =	sst s8  }
0x11: {  	[smem:$0x3FB7] =	sst s9;
	s0 =	simm.s32 @!p0 $0x0  }
0x12: {  	s1 =	sld [smem:$0x3F9D];
	s0 =	simm.s32 @p0 $0x1  }
0x13: {  	[smem:$0x3FB8] =	sst s0;
	s0 =	simm.s32 @!p1 $0x0  }
0x14: {  	s2 =	sld [smem:$0x3F9C];
	s0 =	simm.s32 @p1 $0x1  }
0x15: {  	[smem:$0x3FB9] =	sst s0;
	s0 =	simm.s32 @!p2 $0x0  }
0x16: {  	s3 =	sld [smem:$0x3FDB];
	s0 =	simm.s32 @p2 $0x1  }
0x17: {  	s4 =	simm.s32 $0x1BF5;
	[smem:$0x3FBB] =	sst s0  }
0x18: {  	s0 =	sld [smem:$0x3F9E];
	_ =	swait.ge [sflag:s4], $0x0  }
0x19: {  	s7 =	sld [smem:$0x3F9F]  }
0x1a: {  	s8 =	sadd.s32 $0xFFFFE003, lr  }
0x1b: {  	s9 =	sadd.s32 $0xFFFFFEF7, lr;
	s5 =	simm.s32 $0xFFFFFFFF;
	p2 =	slt.u32 s8, $0xFFFFF086  }
0x1c: {  	p1 =	slt.u32 s9, $0xF7A;
	s5 =	simm.s32 @!p2 $0x0  }
0x1d: {  	s5 =	simm.s32 @p1 $0x1;
	p0 =	seq.s32 s7, s2  }
0x1e: {  	s7 =	smul.u32 @!p0 $0xF7A, s2;
	p2 =	seq.s32 @!p0 s5, $0x0  }
0x1f: {  	s9 =	smul.u32 $0xF7A, s1;
	s8 =	simm.s32 @!p0 $0x1BF5;
	p2 =	por !p2, p0  }
0x20: {  	[sflag:s8] =	ssyncset.s32 @!p0 $0xFFFFF086;
	s6 =	sadd.s32 @!p0 s3, s7;
	s7 =	simm.s32 @!p0 $0x108  }
0x21: {  	s3 =	sadd.s32 s3, s9;
	s6 =	sadd.s32 @!p0 $0x88, s6;
	s7 =	simm.s32 @p2 $0x1082  }
0x22: {  	[simem:s7], [sflag:s8] =	dma.local @!p0 [hbm:s6], $0xF7A  }
0x23: {  	s9 =	sor.u32 $0xD0000000, s2;
	s6 =	simm.s32 $0x108;
	_ =	swait.ge @!p0 [sflag:s8], $0x0  }
0x24: {  	s3 =	sadd.s32 $0x88, s3;
	s6 =	simm.s32 @!p1 $0x1082;
	[sflag:s4] =	ssyncset.s32 $0xFFFFF086  }
0x25: {  	[simem:s6], [sflag:s4] =	dma.local [hbm:s3], $0xF7A  }
0x26: {  	[smem:$0x3F9F] =	sst s1;
	(tag) =	ssettag s2;
	_ =	strace s9  }
0x27: {  	s1 =	sld [smem:$0x3FAF]  }
0x28: {  	s2 =	sld [smem:$0x3FB0]  }
0x29: {  	s4 =	sld [smem:$0x3FB2]  }
0x2a: {  	p0 =	seq.s32 s5, $0x0;
	s5 =	sld [smem:$0x3FB3]  }
0x2b: {  	s6 =	sld [smem:$0x3FB4]  }
0x2c: {  	s7 =	sld [smem:$0x3FB5]  }
0x2d: {  	s3 =	simm.s32 $0x108;
	s8 =	sld [smem:$0x3FB6]  }
0x2e: {  	s3 =	simm.s32 @!p0 $0x1082;
	s9 =	sld [smem:$0x3FB7]  }
0x2f: {  	lr =	sadd.s32 s0, s3;
	s0 =	sld [smem:$0x3FAE]  }
0x30: {  	s3 =	sld [smem:$0x3FB1]  }
0x31: {  	[smem:$0x3FBA] =	sst s10  }
0x32: {  	s10 =	sld [smem:$0x3FB8];
	_ =	sdelay $0x3  }
0x33: {  	p0 =	seq.s32 s10, $0x1;
	s10 =	sld [smem:$0x3FBA];
	_ =	sdelay $0x3  }
0x34: {  	[smem:$0x3FBA] =	sst s10  }
0x35: {  	s10 =	sld [smem:$0x3FB9];
	_ =	sdelay $0x3  }
0x36: {  	p1 =	seq.s32 s10, $0x1;
	s10 =	sld [smem:$0x3FBA];
	_ =	sdelay $0x3  }
0x37: {  	[smem:$0x3FBA] =	sst s10  }
0x38: {  	s10 =	sld [smem:$0x3FBB]  }
0x39: {  	_ = 	snop;
	(pc) =	sbr.ind lr, $3  }
0x3a: {  	_ = 	snop  }
0x3b: {  	_ = 	snop  }
0x3c: {  	p2 =	seq.s32 s10, $0x1;
	s10 =	sld [smem:$0x3FBA]  }
0x3d: {  	_ =	shalt  }
0x3e: {  	_ =	shalt  }
0x3f: {  	_ =	shalt  }
0x40: {  	_ =	shalt  }
0x41: {  	_ =	shalt  }
0x42: {  	_ =	shalt  }
0x43: {  	_ =	shalt  }
0x44: {  	_ =	shalt  }
0x45: {  	_ =	shalt  }
0x46: {  	_ =	shalt  }
0x47: {  	_ =	shalt  }
0x48: {  	_ =	shalt  }
0x49: {  	_ =	shalt  }
0x4a: {  	_ =	shalt  }
0x4b: {  	_ =	shalt  }
0x4c: {  	_ =	shalt  }
0x4d: {  	_ =	shalt  }
0x4e: {  	_ =	shalt  }
0x4f: {  	_ =	shalt  }
0x50: {  	_ =	shalt  }
0x51: {  	_ =	shalt  }
0x52: {  	_ =	shalt  }
0x53: {  	_ =	shalt  }
0x54: {  	_ =	shalt  }
0x55: {  	_ =	shalt  }
0x56: {  	_ =	shalt  }
0x57: {  	_ =	shalt  }
0x58: {  	_ =	shalt  }
0x59: {  	_ =	shalt  }
0x5a: {  	_ =	shalt  }
0x5b: {  	_ =	shalt  }
0x5c: {  	_ =	shalt  }
0x5d: {  	_ =	shalt  }
0x5e: {  	_ =	shalt  }
0x5f: {  	_ =	shalt  }
0x60: {  	_ =	shalt  }
0x61: {  	_ =	shalt  }
0x62: {  	_ =	shalt  }
0x63: {  	_ =	shalt  }
0x64: {  	_ =	shalt  }
0x65: {  	_ =	shalt  }
0x66: {  	_ =	shalt  }
0x67: {  	_ =	shalt  }
0x68: {  	_ =	shalt  }
0x69: {  	_ =	shalt  }
0x6a: {  	_ =	shalt  }
0x6b: {  	_ =	shalt  }
0x6c: {  	_ =	shalt  }
0x6d: {  	_ =	shalt  }
0x6e: {  	_ =	shalt  }
0x6f: {  	_ =	shalt  }
0x70: {  	_ =	shalt  }
0x71: {  	_ =	shalt  }
0x72: {  	_ =	shalt  }
0x73: {  	_ =	shalt  }
0x74: {  	_ =	shalt  }
0x75: {  	_ =	shalt  }
0x76: {  	_ =	shalt  }
0x77: {  	_ =	shalt  }
0x78: {  	_ =	shalt  }
0x79: {  	_ =	shalt  }
0x7a: {  	_ =	shalt  }
0x7b: {  	_ =	shalt  }
0x7c: {  	_ =	shalt  }
0x7d: {  	_ =	shalt  }
0x7e: {  	_ =	shalt  }
0x7f: {  	_ =	shalt  }
0x80: {  	_ =	shalt  }
0x81: {  	_ =	shalt  }
0x82: {  	_ =	shalt  }
0x83: {  	_ =	shalt  }
0x84: {  	_ =	shalt  }
0x85: {  	_ =	shalt  }
0x86: {  	_ =	shalt  }
0x87: {  	_ =	shalt  }
.Lfunc_end0:
.L_simem_size_0:
called_computation_lowered:
.L_overlay_start_0:
0x88: {  	s2 =	sld [smem:$0x3FD9]  }
0x89: {  	s3 =	sld [smem:$0x3FFE];
	_ =	sdelay $0x1  }
0x8a: {  	s1 =	srdreg.scid  }
0x8b: {  	s0 =	sand.u32 $0x1, s1  }
0x8c: {  	s14 =	sshll.u32 s0, $0xA;
	s2 =	sadd.s32 s3, s2  }
0x8d: {  	s2 =	sadd.s32 s2, s14  }
0x8e: {  	[smem:$0x3FC6] =	sst s2  }
0x8f: {  	_ = 	snop  }
0x90: {  	s2 =	sld [smem:$0x3FD0];
	_ =	sdelay $0x2  }
0x91: {  	s4 =	simm.s32 $0xA;
	s5 =	simm.s32 $0x10;
	s15 =	sld [smem:$0x3FC8]  }
0x92: {  	[smem:s5], [sflag:s4] =	dma.local [hbm:s2], $0x1  }
0x93: {  	_ =	swait.eq [sflag:s4], $0x1  }
0x94: {  	[sflag:s4] =	ssyncset.done $0x0  }
0x95: {  	[sflag:s4] =	ssyncadd.s32 $0xFFFFFFFF  }
0x96: {  	s16 =	sld [smem:$0x11];
	(tm) =	ssettm $0x1  }
0x97: {  	s17 =	sld [smem:$0x3FFB];
	_ =	sdelay $0x3  }
0x98: {  	_ =	strace s17  }
0x99: {  	s4 =	sld [smem:$0x3FFC];
	_ =	sdelay $0x3  }
0x9a: {  	_ =	strace s4  }
0x9b: {  	s4 =	sld [smem:$0x3FFD];
	_ =	sdelay $0x3  }
0x9c: {  	_ =	strace s4  }
0x9d: {  	_ =	strace $0x8FFFFFFF  }
0x9e: {  	s18 =	sld [smem:$0x3FDB];
	_ =	sdelay $0x1  }
0x9f: {  	s19 =	simm.s32 $_scs_section_size  }
0xa0: {  	s6 =	simm.s32 $_size__tile_overlayer_lowered;
	s7 =	simm.s32 $_tile_overlayer_lowered  }
0xa1: {  	s22 =	simm.s32 $0x1BFF;
	s21 =	sshll.u32 s7, $0x1;
	s4 =	sadd.s32 s19, s18  }
0xa2: {  	s8 =	simm.s32 $0x0;
	s20 =	sshll.u32 s6, $0x1;
	s6 =	sadd.s32 s21, s4  }
0xa3: {  	[timem:s8], [sflag:s22] =	dma.local [hbm:s6], s20  }
0xa4: {  	_ =	swait.ge [sflag:s22], s20  }
0xa5: {  	s5 =	ssub.s32 $0x0, s20;
	[sflag:s22] =	ssyncset.done $0x0  }
0xa6: {  	[sflag:s22] =	ssyncadd.s32 s5;
	_ =	sdelay $0x1  }
0xa7: {  	s23 =	simm.s32 $0x1B8B  }
0xa8: {  	_ =	swait.ge [sflag:s23], $0x1  }
0xa9: {  	[sflag:s23] =	ssyncset.done $0x0  }
0xaa: {  	s25 =	simm.s32 $0x1B8E;
	s24 =	sld [smem:$0x3FFE];
	[sflag:s23] =	ssyncadd.s32 $0xFFFFFFFF  }
0xab: {  	s26 =	simm.s32 $execute0_lowered;
	[smem:$0x3FD2] =	sst s25  }
0xac: {  	s6 =	sshll.u32 s26, $0x1;
	_ =	strace $0x80000046;
	[dreg:$0x1] =	wrdreg $0xFFFFFFFF  }
0xad: {  	s28 =	simm.s32 $_size_execute0_lowered;
	s4 =	sadd.s32 s4, s6;
	[dreg:$0x0] =	wrdreg $0x0  }
0xae: {  	s6 =	sshll.u32 s28, $0x1;
	[dreg:$0x2] =	wrdreg s4  }
0xaf: {  	[dreg:$0x3] =	wrdreg s6  }
0xb0: {  	[dreg:$0x4] =	wrdreg $0xC0  }
0xb1: {  	_ =	task [dreg:s8], $0x5FFFF  }
0xb2: {  	[dreg:$0x1] =	wrdreg $0xFFFFFFFF  }
0xb3: {  	[dreg:$0x0] =	wrdreg $0x60  }
0xb4: {  	[dreg:$0x2] =	wrdreg s15  }
0xb5: {  	[dreg:$0x3] =	wrdreg s24  }
0xb6: {  	[dreg:$0x4] =	wrdreg s16  }
0xb7: {  	[dreg:$0x5] =	wrdreg $0x9  }
0xb8: {  	_ =	task.clear_ibuf [dreg:s8], $0x6FFFF;
	_ =	strace $0x90000046  }
0xb9: {  	s29 =	simm.s32 $0x9;
	_ =	strace $0x80000048  }
0xba: {  	_ =	swait.ge [sflag:s29], $0x1  }
0xbb: {  	[sflag:s29] =	ssyncadd.s32 $0xFFFFFFFF  }
0xbc: {  	_ =	strace $0x90000048  }
0xbd: {  	_ =	sfence  }
0xbe: {  	s30 =	sld [smem:$0x0];
	_ =	sdelay $0x2  }
0xbf: {  	s31 =	sshll.u32 s1, $0xD;
	s1 =	sshrl.u32 s1, $0x2  }
0xc0: {  	s3 =	sand.u32 $0x4000, s31;
	s1 =	sadd.s32 s1, s30  }
0xc1: {  	s0 =	sor.u32 s3, s0;
	s1 =	sshll.u32 s1, $0x11  }
0xc2: {  	s0 =	sor.u32 s1, s0  }
0xc3: {  	s0 =	sadd.s32 $0x8F2B, s0  }
0xc4: {  	[sflag:s0] =	ssyncadd.remote.s32 $0x1  }
0xc5: {  	_ =	sfence.sel $0xFFFF  }
0xc6: {  	[dreg:$0x0] =	wrdreg $0xFFFFFFFF;
	(pc) =	sbr.abs _section_cstart, $3  }
0xc7: {  	[dreg:$0x1] =	wrdreg $0xFFFFFFFF  }
0xc8: {  	_ =	task.clear_ibuf [dreg:s8], $0x2FFFF;
	_ =	strace $0x9FFFFFFF  }
0xc9: {  	(tm) =	ssettm $0x7FFFFFFF  }
tec
execute0_lowered:
.L_overlay_start_1:
0x0: {  	(tag) =	ssettag $0x1  }
0x1: {  	s1 =	rddreg [dreg:$0x0]  }
0x2: {  	s0 =	rddreg [dreg:$0x1]  }
0x3: {  	s2 =	srdreg.scid;
	s3 =	stileid.u32  }
0x4: {  	s5 =	rddreg [dreg:$0x2];
	s9 =	simm.s32 $0x100;
	s25 =	simm.s32 $0x1  }
0x5: {  	s26 =	simm.s32 $0x8100;
	s28 =	simm.s32 $0x8900;
	s29 =	simm.s32 $0x9100  }
0x6: {  	s30 =	simm.s32 $0x9900;
	s31 =	simm.s32 $0xA100;
	s10 =	simm.s32 $0xB900  }
0x7: {  	s11 =	simm.s32 $0xC100;
	s12 =	simm.s32 $0xC900;
	s13 =	simm.s32 $0xD100  }
0x8: {  	s14 =	simm.s32 $0xD900;
	s15 =	simm.s32 $0xE100;
	s16 =	simm.s32 $0xE900  }
0x9: {  	s17 =	simm.s32 $0xF100;
	s18 =	simm.s32 $0xF900;
	s19 =	simm.s32 $0x10100  }
0xa: {  	s20 =	simm.s32 $0x80;
	s2 =	sand.u32 $0x1, s2;
	s3 =	sshll.u32 s3, $0x1  }
0xb: {  	s21 =	simm.s32 $0x400;
	s22 =	simm.s32 $0x0;
	s4 =	sor.u32 s2, s3  }
0xc: {  	s3 =	simm.s32 $0x0;
	s2 =	ssub.s32 $0x2, s2;
	s6 =	sshll.u32 s4, $0xD  }
0xd: {  	s7 =	sshll.u32 s4, $0x7;
	[smem:$0x7FF] =	sst s3;
	s4 =	sshll.u32 s4, $0x5  }
0xe: {  	s8 =	sshrl.u32 s2, $0x1;
	s7 =	sor.u32 s7, s6;
	_ =	strace $0x80000047  }
0xf: {  	s4 =	sadd.s32 s4, s0;
	s2 =	ssub.s32 s2, s8;
	s7 =	sand.u32 $0x30380, s7  }
0x10: {  	v2 =	vlaneseq.u32;
	vm0 =	vmmov $0xffff;
	s5 =	sadd.s32 s5, s6;
	s8 =	simm.s32 $0x2;
	s7 =	sshrl.u32 s7, $0x3  }
0x11: {  	v3 =	vimm.s32 $0x0;
	v4 =	vimm.s32 $0x1;
	v1 =	vshrl.u32 v2, $0x3;
	s4 =	sadd.s32 $0x400, s4;
	s0 =	sadd.s32 s7, s0;
	s7 =	smax.u32 s2, $0x1  }
0x12: {  	v0 =	vand.u32 $0x7, v2;
	v2 =	vor.u32 $0x8, v2;
	v1 =	vmul.u32 $0x8, v1;
	s2 =	simm.s32 $0xA900;
	s6 =	sadd.s32 $0x800, s0;
	s0 =	simm.s32 $0xB100  }
.LBB2_1:
0x13: {  	[tilespmem:s3], [sflag:$0x2] =	stream.linear.gather [hbm4b:s4+s3], $0x100, $0x38;
	[tilespmem:$0x12100] =	vst v63  }
0x14: {  	_ =	swait.ge [sflag:s8], $0x100  }
0x15: {  	[sflag:s8] =	ssyncset.done $0x0  }
0x16: {  	[sflag:s8] =	ssyncadd.s32 $0xFFFFFF00  }
0x17: {  	v5 =	vld [tilespmem:$0x0];
	_ =	sdelay $0x4  }
0x18: {  	v6 =	vshll.u32 v5, $0x1  }
0x19: {  	v5 =	vand.u32 $0x7, v5;
	v6 =	vand.u32 $0xFFFFFFF0, v6  }
0x1a: {  	v5 =	vor.u32 v5, v6  }
0x1b: {  	v6 =	vperm.xlane v5, v0;
	_ =	sdelay $0x1  }
0x1c: {  	v5 =	vperm.xlane v5, v2;
	v6 =	vadd.s32 v1, v6;
	_ =	sdelay $0x1  }
0x1d: {  	v5 =	vadd.s32 v1, v5;
	_ =	sdelay $0x2  }
0x1e: {  	[tilespmem:s9], [sflag:$0x1] =	stream.indirect_vreg.gather [hbm4b:s1+s3], $0x80, v6, vm0, $0xb8;
	[tilespmem:$0x12100] =	vst v63  }
0x1f: {  	s23 =	simm.s32 $0x900  }
0x20: {  	[tilespmem:s23], [sflag:$0x1] =	stream.indirect_vreg.gather [hbm4b:s1+s3], $0x80, v5, vm0, $0xb8;
	[tilespmem:$0x12100] =	vst v63  }
0x21: {  	v5 =	vld [tilespmem:$0x10];
	_ =	sdelay $0x4  }
0x22: {  	v6 =	vshll.u32 v5, $0x1  }
0x23: {  	v5 =	vand.u32 $0x7, v5;
	v6 =	vand.u32 $0xFFFFFFF0, v6  }
0x24: {  	v5 =	vor.u32 v5, v6  }
0x25: {  	v6 =	vperm.xlane v5, v0;
	_ =	sdelay $0x1  }
0x26: {  	v5 =	vperm.xlane v5, v2;
	v6 =	vadd.s32 v1, v6;
	_ =	sdelay $0x1  }
0x27: {  	v5 =	vadd.s32 v1, v5;
	_ =	sdelay $0x1  }
0x28: {  	s24 =	simm.s32 $0x1100  }
0x29: {  	[tilespmem:s24], [sflag:$0x1] =	stream.indirect_vreg.gather [hbm4b:s1+s3], $0x80, v6, vm0, $0xb8;
	[tilespmem:$0x12100] =	vst v63  }
0x2a: {  	s24 =	simm.s32 $0x1900  }
0x2b: {  	[tilespmem:s24], [sflag:$0x1] =	stream.indirect_vreg.gather [hbm4b:s1+s3], $0x80, v5, vm0, $0xb8;
	[tilespmem:$0x12100] =	vst v63  }
0x2c: {  	v5 =	vld [tilespmem:$0x20];
	_ =	sdelay $0x4  }
0x2d: {  	v6 =	vshll.u32 v5, $0x1  }
0x2e: {  	v5 =	vand.u32 $0x7, v5;
	v6 =	vand.u32 $0xFFFFFFF0, v6  }
0x2f: {  	v5 =	vor.u32 v5, v6  }
0x30: {  	v6 =	vperm.xlane v5, v0;
	_ =	sdelay $0x1  }
0x31: {  	v5 =	vperm.xlane v5, v2;
	v6 =	vadd.s32 v1, v6;
	_ =	sdelay $0x1  }
0x32: {  	v5 =	vadd.s32 v1, v5;
	_ =	sdelay $0x1  }
0x33: {  	s24 =	simm.s32 $0x2100  }
0x34: {  	[tilespmem:s24], [sflag:$0x1] =	stream.indirect_vreg.gather [hbm4b:s1+s3], $0x80, v6, vm0, $0xb8;
	[tilespmem:$0x12100] =	vst v63  }
0x35: {  	s24 =	simm.s32 $0x2900  }
0x36: {  	[tilespmem:s24], [sflag:$0x1] =	stream.indirect_vreg.gather [hbm4b:s1+s3], $0x80, v5, vm0, $0xb8;
	[tilespmem:$0x12100] =	vst v63  }
0x37: {  	v5 =	vld [tilespmem:$0x30];
	_ =	sdelay $0x4  }
0x38: {  	v6 =	vshll.u32 v5, $0x1  }
0x39: {  	v5 =	vand.u32 $0x7, v5;
	v6 =	vand.u32 $0xFFFFFFF0, v6  }
0x3a: {  	v5 =	vor.u32 v5, v6  }
0x3b: {  	v6 =	vperm.xlane v5, v0;
	_ =	sdelay $0x1  }
0x3c: {  	v5 =	vperm.xlane v5, v2;
	v6 =	vadd.s32 v1, v6;
	_ =	sdelay $0x1  }
0x3d: {  	v5 =	vadd.s32 v1, v5;
	_ =	sdelay $0x1  }
0x3e: {  	s24 =	simm.s32 $0x3100  }
0x3f: {  	[tilespmem:s24], [sflag:$0x1] =	stream.indirect_vreg.gather [hbm4b:s1+s3], $0x80, v6, vm0, $0xb8;
	[tilespmem:$0x12100] =	vst v63  }
0x40: {  	s24 =	simm.s32 $0x3900  }
0x41: {  	[tilespmem:s24], [sflag:$0x1] =	stream.indirect_vreg.gather [hbm4b:s1+s3], $0x80, v5, vm0, $0xb8;
	[tilespmem:$0x12100] =	vst v63  }
0x42: {  	v5 =	vld [tilespmem:$0x40];
	_ =	sdelay $0x4  }
0x43: {  	v6 =	vshll.u32 v5, $0x1  }
0x44: {  	v5 =	vand.u32 $0x7, v5;
	v6 =	vand.u32 $0xFFFFFFF0, v6  }
0x45: {  	v5 =	vor.u32 v5, v6  }
0x46: {  	v6 =	vperm.xlane v5, v0;
	_ =	sdelay $0x1  }
0x47: {  	v5 =	vperm.xlane v5, v2;
	v6 =	vadd.s32 v1, v6;
	_ =	sdelay $0x1  }
0x48: {  	v5 =	vadd.s32 v1, v5;
	_ =	sdelay $0x1  }
0x49: {  	s24 =	simm.s32 $0x4100  }
0x4a: {  	[tilespmem:s24], [sflag:$0x1] =	stream.indirect_vreg.gather [hbm4b:s1+s3], $0x80, v6, vm0, $0xb8;
	[tilespmem:$0x12100] =	vst v63  }
0x4b: {  	s24 =	simm.s32 $0x4900  }
0x4c: {  	[tilespmem:s24], [sflag:$0x1] =	stream.indirect_vreg.gather [hbm4b:s1+s3], $0x80, v5, vm0, $0xb8;
	[tilespmem:$0x12100] =	vst v63  }
0x4d: {  	v5 =	vld [tilespmem:$0x50];
	_ =	sdelay $0x4  }
0x4e: {  	v6 =	vshll.u32 v5, $0x1  }
0x4f: {  	v5 =	vand.u32 $0x7, v5;
	v6 =	vand.u32 $0xFFFFFFF0, v6  }
0x50: {  	v5 =	vor.u32 v5, v6  }
0x51: {  	v6 =	vperm.xlane v5, v0;
	_ =	sdelay $0x1  }
0x52: {  	v5 =	vperm.xlane v5, v2;
	v6 =	vadd.s32 v1, v6;
	_ =	sdelay $0x1  }
0x53: {  	v5 =	vadd.s32 v1, v5;
	_ =	sdelay $0x1  }
0x54: {  	s24 =	simm.s32 $0x5100  }
0x55: {  	[tilespmem:s24], [sflag:$0x1] =	stream.indirect_vreg.gather [hbm4b:s1+s3], $0x80, v6, vm0, $0xb8;
	[tilespmem:$0x12100] =	vst v63  }
0x56: {  	s24 =	simm.s32 $0x5900  }
0x57: {  	[tilespmem:s24], [sflag:$0x1] =	stream.indirect_vreg.gather [hbm4b:s1+s3], $0x80, v5, vm0, $0xb8;
	[tilespmem:$0x12100] =	vst v63  }
0x58: {  	v5 =	vld [tilespmem:$0x60];
	_ =	sdelay $0x4  }
0x59: {  	v6 =	vshll.u32 v5, $0x1  }
0x5a: {  	v5 =	vand.u32 $0x7, v5;
	v6 =	vand.u32 $0xFFFFFFF0, v6  }
0x5b: {  	v5 =	vor.u32 v5, v6  }
0x5c: {  	v6 =	vperm.xlane v5, v0;
	_ =	sdelay $0x1  }
0x5d: {  	v5 =	vperm.xlane v5, v2;
	v6 =	vadd.s32 v1, v6;
	_ =	sdelay $0x1  }
0x5e: {  	v5 =	vadd.s32 v1, v5;
	_ =	sdelay $0x1  }
0x5f: {  	s24 =	simm.s32 $0x6100  }
0x60: {  	[tilespmem:s24], [sflag:$0x1] =	stream.indirect_vreg.gather [hbm4b:s1+s3], $0x80, v6, vm0, $0xb8;
	[tilespmem:$0x12100] =	vst v63  }
0x61: {  	s24 =	simm.s32 $0x6900  }
0x62: {  	[tilespmem:s24], [sflag:$0x1] =	stream.indirect_vreg.gather [hbm4b:s1+s3], $0x80, v5, vm0, $0xb8;
	[tilespmem:$0x12100] =	vst v63  }
0x63: {  	v5 =	vld [tilespmem:$0x70];
	_ =	sdelay $0x4  }
0x64: {  	v6 =	vshll.u32 v5, $0x1  }
0x65: {  	v5 =	vand.u32 $0x7, v5;
	v6 =	vand.u32 $0xFFFFFFF0, v6  }
0x66: {  	v5 =	vor.u32 v5, v6  }
0x67: {  	v6 =	vperm.xlane v5, v0;
	_ =	sdelay $0x1  }
0x68: {  	v5 =	vperm.xlane v5, v2;
	v6 =	vadd.s32 v1, v6;
	_ =	sdelay $0x1  }
0x69: {  	v5 =	vadd.s32 v1, v5;
	_ =	sdelay $0x1  }
0x6a: {  	s24 =	simm.s32 $0x7100  }
0x6b: {  	[tilespmem:s24], [sflag:$0x1] =	stream.indirect_vreg.gather [hbm4b:s1+s3], $0x80, v6, vm0, $0xb8;
	[tilespmem:$0x12100] =	vst v63  }
0x6c: {  	s24 =	simm.s32 $0x7900  }
0x6d: {  	[tilespmem:s24], [sflag:$0x1] =	stream.indirect_vreg.gather [hbm4b:s1+s3], $0x80, v5, vm0, $0xb8;
	[tilespmem:$0x12100] =	vst v63  }
0x6e: {  	_ =	swait.ge [sflag:s25], $0x8000  }
0x6f: {  	[sflag:s25] =	ssyncset.done $0x0  }
0x70: {  	[sflag:s25] =	ssyncadd.s32 $0xFFFF8000  }
0x71: {  	v5 =	vld [tilespmem:$0x80];
	_ =	sdelay $0x4  }
0x72: {  	v6 =	vshll.u32 v5, $0x1  }
0x73: {  	v5 =	vand.u32 $0x7, v5;
	v6 =	vand.u32 $0xFFFFFFF0, v6  }
0x74: {  	v5 =	vor.u32 v5, v6  }
0x75: {  	v6 =	vperm.xlane v5, v0;
	_ =	sdelay $0x1  }
0x76: {  	v5 =	vperm.xlane v5, v2;
	v6 =	vadd.s32 v1, v6;
	_ =	sdelay $0x1  }
0x77: {  	v5 =	vadd.s32 v1, v5;
	_ =	sdelay $0x2  }
0x78: {  	[tilespmem:s26], [sflag:$0x1] =	stream.indirect_vreg.gather [hbm4b:s1+s3], $0x80, v6, vm0, $0xb8;
	[tilespmem:$0x12100] =	vst v63  }
0x79: {  	_ = 	snop  }
0x7a: {  	[tilespmem:s28], [sflag:$0x1] =	stream.indirect_vreg.gather [hbm4b:s1+s3], $0x80, v5, vm0, $0xb8;
	[tilespmem:$0x12100] =	vst v63  }
0x7b: {  	v5 =	vld [tilespmem:$0x90];
	_ =	sdelay $0x4  }
0x7c: {  	v6 =	vshll.u32 v5, $0x1  }
0x7d: {  	v5 =	vand.u32 $0x7, v5;
	v6 =	vand.u32 $0xFFFFFFF0, v6  }
0x7e: {  	v5 =	vor.u32 v5, v6  }
0x7f: {  	v6 =	vperm.xlane v5, v0;
	_ =	sdelay $0x1  }
0x80: {  	v5 =	vperm.xlane v5, v2;
	v6 =	vadd.s32 v1, v6;
	_ =	sdelay $0x1  }
0x81: {  	v5 =	vadd.s32 v1, v5;
	_ =	sdelay $0x2  }
0x82: {  	[tilespmem:s29], [sflag:$0x1] =	stream.indirect_vreg.gather [hbm4b:s1+s3], $0x80, v6, vm0, $0xb8;
	[tilespmem:$0x12100] =	vst v63  }
0x83: {  	_ = 	snop  }
0x84: {  	[tilespmem:s30], [sflag:$0x1] =	stream.indirect_vreg.gather [hbm4b:s1+s3], $0x80, v5, vm0, $0xb8;
	[tilespmem:$0x12100] =	vst v63  }
0x85: {  	v5 =	vld [tilespmem:$0xA0];
	_ =	sdelay $0x4  }
0x86: {  	v6 =	vshll.u32 v5, $0x1  }
0x87: {  	v5 =	vand.u32 $0x7, v5;
	v6 =	vand.u32 $0xFFFFFFF0, v6  }
0x88: {  	v5 =	vor.u32 v5, v6  }
0x89: {  	v6 =	vperm.xlane v5, v0;
	_ =	sdelay $0x1  }
0x8a: {  	v5 =	vperm.xlane v5, v2;
	v6 =	vadd.s32 v1, v6;
	_ =	sdelay $0x1  }
0x8b: {  	v5 =	vadd.s32 v1, v5;
	_ =	sdelay $0x2  }
0x8c: {  	[tilespmem:s31], [sflag:$0x1] =	stream.indirect_vreg.gather [hbm4b:s1+s3], $0x80, v6, vm0, $0xb8;
	[tilespmem:$0x12100] =	vst v63  }
0x8d: {  	_ = 	snop  }
0x8e: {  	[tilespmem:s2], [sflag:$0x1] =	stream.indirect_vreg.gather [hbm4b:s1+s3], $0x80, v5, vm0, $0xb8;
	[tilespmem:$0x12100] =	vst v63  }
0x8f: {  	v5 =	vld [tilespmem:$0xB0];
	_ =	sdelay $0x4  }
0x90: {  	v6 =	vshll.u32 v5, $0x1  }
0x91: {  	v5 =	vand.u32 $0x7, v5;
	v6 =	vand.u32 $0xFFFFFFF0, v6  }
0x92: {  	v5 =	vor.u32 v5, v6  }
0x93: {  	v6 =	vperm.xlane v5, v0;
	_ =	sdelay $0x1  }
0x94: {  	v5 =	vperm.xlane v5, v2;
	v6 =	vadd.s32 v1, v6;
	_ =	sdelay $0x1  }
0x95: {  	v5 =	vadd.s32 v1, v5;
	_ =	sdelay $0x2  }
0x96: {  	[tilespmem:s0], [sflag:$0x1] =	stream.indirect_vreg.gather [hbm4b:s1+s3], $0x80, v6, vm0, $0xb8;
	[tilespmem:$0x12100] =	vst v63  }
0x97: {  	_ = 	snop  }
0x98: {  	[tilespmem:s10], [sflag:$0x1] =	stream.indirect_vreg.gather [hbm4b:s1+s3], $0x80, v5, vm0, $0xb8;
	[tilespmem:$0x12100] =	vst v63  }
0x99: {  	v5 =	vld [tilespmem:$0xC0];
	_ =	sdelay $0x4  }
0x9a: {  	v6 =	vshll.u32 v5, $0x1  }
0x9b: {  	v5 =	vand.u32 $0x7, v5;
	v6 =	vand.u32 $0xFFFFFFF0, v6  }
0x9c: {  	v5 =	vor.u32 v5, v6  }
0x9d: {  	v6 =	vperm.xlane v5, v0;
	_ =	sdelay $0x1  }
0x9e: {  	v5 =	vperm.xlane v5, v2;
	v6 =	vadd.s32 v1, v6;
	_ =	sdelay $0x1  }
0x9f: {  	v5 =	vadd.s32 v1, v5;
	_ =	sdelay $0x2  }
0xa0: {  	[tilespmem:s11], [sflag:$0x1] =	stream.indirect_vreg.gather [hbm4b:s1+s3], $0x80, v6, vm0, $0xb8;
	[tilespmem:$0x12100] =	vst v63  }
0xa1: {  	_ = 	snop  }
0xa2: {  	[tilespmem:s12], [sflag:$0x1] =	stream.indirect_vreg.gather [hbm4b:s1+s3], $0x80, v5, vm0, $0xb8;
	[tilespmem:$0x12100] =	vst v63  }
0xa3: {  	v5 =	vld [tilespmem:$0xD0];
	_ =	sdelay $0x4  }
0xa4: {  	v6 =	vshll.u32 v5, $0x1  }
0xa5: {  	v5 =	vand.u32 $0x7, v5;
	v6 =	vand.u32 $0xFFFFFFF0, v6  }
0xa6: {  	v5 =	vor.u32 v5, v6  }
0xa7: {  	v6 =	vperm.xlane v5, v0;
	_ =	sdelay $0x1  }
0xa8: {  	v5 =	vperm.xlane v5, v2;
	v6 =	vadd.s32 v1, v6;
	_ =	sdelay $0x1  }
0xa9: {  	v5 =	vadd.s32 v1, v5;
	_ =	sdelay $0x2  }
0xaa: {  	[tilespmem:s13], [sflag:$0x1] =	stream.indirect_vreg.gather [hbm4b:s1+s3], $0x80, v6, vm0, $0xb8;
	[tilespmem:$0x12100] =	vst v63  }
0xab: {  	_ = 	snop  }
0xac: {  	[tilespmem:s14], [sflag:$0x1] =	stream.indirect_vreg.gather [hbm4b:s1+s3], $0x80, v5, vm0, $0xb8;
	[tilespmem:$0x12100] =	vst v63  }
0xad: {  	v5 =	vld [tilespmem:$0xE0];
	_ =	sdelay $0x4  }
0xae: {  	v6 =	vshll.u32 v5, $0x1  }
0xaf: {  	v5 =	vand.u32 $0x7, v5;
	v6 =	vand.u32 $0xFFFFFFF0, v6  }
0xb0: {  	v5 =	vor.u32 v5, v6  }
0xb1: {  	v6 =	vperm.xlane v5, v0;
	_ =	sdelay $0x1  }
0xb2: {  	v5 =	vperm.xlane v5, v2;
	v6 =	vadd.s32 v1, v6;
	_ =	sdelay $0x1  }
0xb3: {  	v5 =	vadd.s32 v1, v5;
	_ =	sdelay $0x2  }
0xb4: {  	[tilespmem:s15], [sflag:$0x1] =	stream.indirect_vreg.gather [hbm4b:s1+s3], $0x80, v6, vm0, $0xb8;
	[tilespmem:$0x12100] =	vst v63  }
0xb5: {  	_ = 	snop  }
0xb6: {  	[tilespmem:s16], [sflag:$0x1] =	stream.indirect_vreg.gather [hbm4b:s1+s3], $0x80, v5, vm0, $0xb8;
	[tilespmem:$0x12100] =	vst v63  }
0xb7: {  	v5 =	vld [tilespmem:$0xF0];
	_ =	sdelay $0x4  }
0xb8: {  	v6 =	vshll.u32 v5, $0x1  }
0xb9: {  	v5 =	vand.u32 $0x7, v5;
	v6 =	vand.u32 $0xFFFFFFF0, v6  }
0xba: {  	v5 =	vor.u32 v5, v6  }
0xbb: {  	v6 =	vperm.xlane v5, v0;
	_ =	sdelay $0x1  }
0xbc: {  	v5 =	vperm.xlane v5, v2;
	v6 =	vadd.s32 v1, v6;
	_ =	sdelay $0x1  }
0xbd: {  	v5 =	vadd.s32 v1, v5;
	_ =	sdelay $0x2  }
0xbe: {  	[tilespmem:s17], [sflag:$0x1] =	stream.indirect_vreg.gather [hbm4b:s1+s3], $0x80, v6, vm0, $0xb8;
	[tilespmem:$0x12100] =	vst v63  }
0xbf: {  	_ = 	snop  }
0xc0: {  	[tilespmem:s18], [sflag:$0x1] =	stream.indirect_vreg.gather [hbm4b:s1+s3], $0x80, v5, vm0, $0xb8;
	[tilespmem:$0x12100] =	vst v63  }
0xc1: {  	_ =	swait.ge [sflag:s25], $0x8000  }
0xc2: {  	[sflag:s25] =	ssyncset.done $0x0  }
0xc3: {  	[sflag:s25] =	ssyncadd.s32 $0xFFFF8000  }
0xc4: {  	[hbm4b:s5+s3] =	stream.linear.scatter [tilespmem:s9], [sflag:$0x2], $0x10000, $0x38;
	[tilespmem:$0x12100] =	vst v63  }
0xc5: {  	_ =	swait.ge [sflag:s8], $0x10000  }
0xc6: {  	[sflag:s8] =	ssyncset.done $0x0  }
0xc7: {  	s23 =	simm.s32 $0x40;
	s24 =	simm.s32 $0x0;
	[sflag:s8] =	ssyncadd.s32 $0xFFFF0000  }
.LBB2_2:
0xc8: {  	p0 =	sne.s32 s23, $0x7FC0;
	[tilespmem:s24+$0x10100] =	vst v3;
	s24 =	smov.u32 s23;
	s23 =	sadd.s32 $0x40, s23  }
.Ltmp0:
0xc9: {  	(pc) =	sbr.rel @p0 .LBB2_2-.Ltmp0, $2  }
0xca: {  	_ =	sdelay $0x2  }
0xcb: {  	s24 =	sshra.s32 s24, $0x2  }
0xcc: {  	[tilespmem:s24+$0x10100] =	vst v3  }
0xcd: {  	v5 =	vld [tilespmem:$0x0];
	_ =	sdelay $0x7  }
0xce: {  	[tilespmem:v5+s19+$0x0] =	vst.idx.add.s32.msk $0xffff, v4  }
0xcf: {  	v5 =	vld [tilespmem:$0x10];
	_ =	sdelay $0x7  }
0xd0: {  	[tilespmem:v5+s19+$0x0] =	vst.idx.add.s32.msk $0xffff, v4  }
0xd1: {  	v5 =	vld [tilespmem:$0x20];
	_ =	sdelay $0x7  }
0xd2: {  	[tilespmem:v5+s19+$0x0] =	vst.idx.add.s32.msk $0xffff, v4  }
0xd3: {  	v5 =	vld [tilespmem:$0x30];
	_ =	sdelay $0x7  }
0xd4: {  	[tilespmem:v5+s19+$0x0] =	vst.idx.add.s32.msk $0xffff, v4  }
0xd5: {  	v5 =	vld [tilespmem:$0x40];
	_ =	sdelay $0x7  }
0xd6: {  	[tilespmem:v5+s19+$0x0] =	vst.idx.add.s32.msk $0xffff, v4  }
0xd7: {  	v5 =	vld [tilespmem:$0x50];
	_ =	sdelay $0x7  }
0xd8: {  	[tilespmem:v5+s19+$0x0] =	vst.idx.add.s32.msk $0xffff, v4  }
0xd9: {  	v5 =	vld [tilespmem:$0x60];
	_ =	sdelay $0x7  }
0xda: {  	[tilespmem:v5+s19+$0x0] =	vst.idx.add.s32.msk $0xffff, v4  }
0xdb: {  	v5 =	vld [tilespmem:$0x70];
	_ =	sdelay $0x7  }
0xdc: {  	[tilespmem:v5+s19+$0x0] =	vst.idx.add.s32.msk $0xffff, v4  }
0xdd: {  	v5 =	vld [tilespmem:$0x80];
	_ =	sdelay $0x7  }
0xde: {  	[tilespmem:v5+s19+$0x0] =	vst.idx.add.s32.msk $0xffff, v4  }
0xdf: {  	v5 =	vld [tilespmem:$0x90];
	_ =	sdelay $0x7  }
0xe0: {  	[tilespmem:v5+s19+$0x0] =	vst.idx.add.s32.msk $0xffff, v4  }
0xe1: {  	v5 =	vld [tilespmem:$0xA0];
	_ =	sdelay $0x7  }
0xe2: {  	[tilespmem:v5+s19+$0x0] =	vst.idx.add.s32.msk $0xffff, v4  }
0xe3: {  	v5 =	vld [tilespmem:$0xB0];
	_ =	sdelay $0x7  }
0xe4: {  	[tilespmem:v5+s19+$0x0] =	vst.idx.add.s32.msk $0xffff, v4  }
0xe5: {  	v5 =	vld [tilespmem:$0xC0];
	_ =	sdelay $0x7  }
0xe6: {  	[tilespmem:v5+s19+$0x0] =	vst.idx.add.s32.msk $0xffff, v4  }
0xe7: {  	v5 =	vld [tilespmem:$0xD0];
	_ =	sdelay $0x7  }
0xe8: {  	[tilespmem:v5+s19+$0x0] =	vst.idx.add.s32.msk $0xffff, v4  }
0xe9: {  	v5 =	vld [tilespmem:$0xE0];
	_ =	sdelay $0x7  }
0xea: {  	[tilespmem:v5+s19+$0x0] =	vst.idx.add.s32.msk $0xffff, v4  }
0xeb: {  	v5 =	vld [tilespmem:$0xF0];
	_ =	sdelay $0x5  }
0xec: {  	s22 =	sadd.s32 $0x1, s22  }
0xed: {  	p0 =	sne.s32 s22, s7  }
.Ltmp1:
0xee: {  	[tilespmem:v5+s19+$0x0] =	vst.idx.add.s32.msk $0xffff, v4;
	(pc) =	sbr.rel @p0 .LBB2_1-.Ltmp1, $4  }
0xef: {  	[hbm4b:s6+s20] =	stream.strided.scatter [tilespmem:s19], [sflag:$0x2], $0x2000, s21, s20, $0x38;
	[tilespmem:$0x12100] =	vst v63  }
0xf0: {  	_ =	swait.ge [sflag:s8], $0x2000  }
0xf1: {  	[sflag:s8] =	ssyncset.done $0x0  }
0xf2: {  	[sflag:s8] =	ssyncadd.s32 $0xFFFFE000  }
0xf3: {  	_ =	sfence.sel $0x180000  }
0xf4: {  	[bflag:$0x0] =	sbarrier.arrive $0xFFFF  }
0xf5: {  	_ =	strace $0x90000047  }
0xf6: {  	s0 =	stileid.u32;
	[bflag:$0x2] =	sbarrier.arrive $0xFFFF  }
0xf7: {  	p0 =	sne.s32 s0, $0x0;
	s0 =	rddreg [dreg:$0x3]  }
0xf8: {  	s0 =	sadd.s32 @!p0 $0x100000, s0  }
0xf9: {  	[sflag:s0] =	ssyncadd.tile.s32 @!p0 $0x1;
	_ =	shalt  }
.Lfunc_end2:
_tile_overlayer_lowered:
.L_overlay_start_2:
0xfa: {  	(tag) =	ssettag $0x2  }
0xfb: {  	s0 =	rddreg [dreg:$0x0];
	s2 =	stileid.u32  }
0xfc: {  	s1 =	rddreg [dreg:$0x1];
	p0 =	sne.s32 s2, $0x0  }
0xfd: {  	s3 =	rddreg [dreg:$0x2];
	[bflag:$0x3] =	sbarrier.arrive $0xFFFF;
	s2 =	simm.s32 @!p0 $0x1C02  }
0xfe: {  	[timem:s3], [sflag:s2] =	dma.local @!p0 [hbm:s0], s1  }
0xff: {  	s0 =	simm.s32 @!p0 $0x2  }
0x100: {  	_ =	swait.ge @!p0 [sflag:s0], s1  }
0x101: {  	s1 =	ssub.s32 @!p0 $0x0, s1;
	[sflag:s0] =	ssyncset.done @!p0 $0x0  }
0x102: {  	[sflag:s0] =	ssyncadd.s32 @!p0 s1  }
0x103: {  	[bflag:$0x3] =	sbarrier.arrive $0xFFFF  }
0x104: {  	_ =	shalt  }

</sc_bundles>
